<compile_context>
chip_gen: v7x
topology: tpu7x:2x2x1
jax: 0.10.2.dev20260603
libtpu: 0.0.44.dev20260713+nightly
codegen_flags: <defaults>
</compile_context>

<pallas_src>
import functools

import jax
import jax.numpy as jnp
from jax import lax
from jax.experimental import pallas as pl
from jax.experimental.pallas import tpu as pltpu
from jax.experimental.pallas import tpu_sc as plsc

RES = 128
TS = 524288
D = 8
C = 1000
NW = 32
NT = 16
CI = (C + 15) // 16
GROUPS = [(j * 128, 128) for j in range(C // 128)] + [(C - C % 128, C % 128)]
TROWS = TS // NT
TCHUNK = 1024


@functools.lru_cache(maxsize=None)
def _build(n):
    assert n % C == 0
    nchunks = n // C
    mesh = plsc.VectorSubcoreMesh(core_axis_name="c", subcore_axis_name="s")

    @functools.partial(
        pl.kernel,
        mesh=mesh,
        compiler_params=pltpu.CompilerParams(needs_layout_passes=False,
                                             use_tc_tiling_on_sc=False),
        out_type=jax.ShapeDtypeStruct((n * D,), jnp.float32),
        scratch_types=[
            pltpu.HBM((2, TS, D), jnp.float32),
            pltpu.VMEM((C + 16,), jnp.int32),
            pltpu.VMEM((len(GROUPS), 128), jnp.int32),
            pltpu.VMEM((CI * 16,), jnp.int32),
            pltpu.VMEM((C, D), jnp.float32),
            pltpu.VMEM(((CI * 16) * D,), jnp.float32),
            pltpu.VMEM((TCHUNK * D,), jnp.float32),
            pltpu.VMEM((TCHUNK, D), jnp.float32),
            pltpu.VMEM((16,), jnp.float32),
            pltpu.SemaphoreType.DMA,
        ],
    )
    def lookup(idx_hbm, tabf_hbm, out_hbm, tabs_hbm, pin_v, idx_v,
               msk_v, rows_v, stage_v, tf_v, t2_v, hot_v, sem):
        tab0_hbm = tabs_hbm.at[0]
        tab1_hbm = tabs_hbm.at[1]
        cid = lax.axis_index("c")
        sid = lax.axis_index("s")
        wid = sid * 2 + cid
        lane = lax.iota(jnp.int32, 16)
        col3 = lane * 3
        rsub = lane >> 3
        csub = lane & 7

        def stage_table(tab_hbm):
            def chunk(k, carry):
                r0 = sid * TROWS + k * TCHUNK
                pltpu.sync_copy(tabf_hbm.at[pl.ds(r0 * D, TCHUNK * D)],
                                tf_v)

                def body(t, carry2):
                    v = tf_v[pl.ds(t * 16, 16)]
                    plsc.store_scatter(t2_v, [t * 2 + rsub, csub], v)
                    return carry2

                lax.fori_loop(0, TCHUNK * D // 16, body, None)
                pltpu.sync_copy(t2_v, tab_hbm.at[pl.ds(r0, TCHUNK)])
                return carry

            lax.fori_loop(0, TROWS // TCHUNK, chunk, None)

        @pl.when(cid == 0)
        def _():
            stage_table(tab0_hbm)

        @pl.when(cid == 1)
        def _():
            stage_table(tab1_hbm)

        plsc.subcore_barrier()

        pin_v[pl.ds(C, 16)] = jnp.zeros((16,), jnp.int32)
        pltpu.sync_copy(tabf_hbm.at[pl.ds((TS - 2) * D, 16)], hot_v)
        colf = [jnp.full((16,), f, jnp.int32) for f in range(D)]
        hotf = [plsc.load_gather(hot_v, [jnp.full((16,), D + f, jnp.int32)])
                for f in range(D)]

        def run_chunks(table_hbm):
            def chunk_body(t, carry):
                g = t * NW + wid

                @pl.when(g < nchunks)
                def _():
                    base = g * C
                    pltpu.sync_copy(idx_hbm.at[pl.ds(base, C)],
                                    pin_v.at[pl.ds(0, C)])

                    def compute(i, carry2):
                        ii = pin_v[pl.ds(i * 16, 16)]
                        m = ii < TS - 1
                        pv = lane + i * 16
                        dmy = (base + pv) & (TS - 1)
                        idx_v[i // 8, pl.ds((i % 8) * 16, 16)] = jnp.where(
                            m, ii, dmy)
                        msk_v[pl.ds(i * 16, 16)] = m.astype(jnp.int32)
                        return carry2

                    lax.fori_loop(0, CI, compute, None)

                    copies = [
                        pltpu.async_copy(
                            table_hbm.at[idx_v.at[j, pl.ds(0, cnt)]],
                            rows_v.at[pl.ds(dst0, cnt)],
                            sem)
                        for j, (dst0, cnt) in enumerate(GROUPS)
                    ]
                    for cp in copies:
                        cp.wait()

                    def merge(i, carry2):
                        mb = msk_v[pl.ds(i * 16, 16)] > 0
                        pv = lane + i * 16
                        inb = pv < C
                        pv8 = pv * D
                        for f in range(D):
                            gf = plsc.load_gather(rows_v, [pv, colf[f]],
                                                  mask=inb)
                            v = jnp.where(mb, gf, hotf[f])
                            plsc.store_scatter(stage_v, [pv8 + f], v,
                                               mask=inb)
                        return carry2

                    lax.fori_loop(0, CI, merge, None)
                    pltpu.sync_copy(stage_v.at[pl.ds(0, C * D)],
                                    out_hbm.at[pl.ds(base * D, C * D)])

                return carry

            lax.fori_loop(0, (nchunks + NW - 1) // NW, chunk_body, None)

        @pl.when(cid == 0)
        def _():
            run_chunks(tab0_hbm)

        @pl.when(cid == 1)
        def _():
            run_chunks(tab1_hbm)

    return lookup


@functools.lru_cache(maxsize=None)
def _build_idx(n, blk):
    def body(x_ref, o_ref):
        x = x_ref[...]
        ps = (x + 1.0) * 0.5 * float(RES)
        ps = jnp.minimum(jnp.maximum(ps, 0.0), float(RES - 1))
        f = (ps[:, 0] * float(RES * RES) + ps[:, 1] * float(RES)) + ps[:, 2]
        ii = f.astype(jnp.int32)
        o_ref[...] = jnp.minimum(jnp.maximum(ii, 0), TS - 1)

    return pl.pallas_call(
        body,
        out_shape=jax.ShapeDtypeStruct((n,), jnp.int32),
        grid=(pl.cdiv(n, blk),),
        in_specs=[pl.BlockSpec((blk, 3), lambda i: (i, 0))],
        out_specs=pl.BlockSpec((blk,), lambda i: (i,)),
    )


def kernel(positions, table):
    n = positions.shape[0]
    idx = _build_idx(n, 8192)(positions)
    out_flat = _build(n)(idx, table.reshape(-1))
    return out_flat.reshape(n, D)

# --- scband reference (transcript-rebuilt; emitter-appended) ---
"""Pipeline reference for scband-hash-encoder-11587821765188 (READ-ONLY COPY).

The authoritative reference and input builder live on the scoring server;
editing this copy changes nothing except your own understanding.
"""

import jax, jax.numpy as jnp
import numpy as np

RESOLUTION = 128
FEATURE_DIM = 8
TABLE_SIZE = min(RESOLUTION ** 3, 2 ** 19)


def setup_inputs(seed: int = 0) -> dict:
    key = jax.random.key(seed)
    k1, k2 = jax.random.split(key)
    # positions in [-1, 1]^3
    positions = jax.random.uniform(k1, (1000000, 3), dtype=jnp.float32) * 2.0 - 1.0
    # xavier_uniform init for embedding table
    bound = float(np.sqrt(6.0 / (TABLE_SIZE + FEATURE_DIM)))
    table = jax.random.uniform(k2, (TABLE_SIZE, FEATURE_DIM), dtype=jnp.float32, minval=-bound, maxval=bound)
    return {"positions": positions, "table": table}


def reference(positions, table):
    pos_scaled = (positions + 1.0) * 0.5 * RESOLUTION
    pos_scaled = jnp.clip(pos_scaled, 0.0, RESOLUTION - 1)
    indices = (pos_scaled[..., 0] * (RESOLUTION ** 2)
               + pos_scaled[..., 1] * RESOLUTION
               + pos_scaled[..., 2]).astype(jnp.int64)
    indices = jnp.clip(indices, 0, TABLE_SIZE - 1)
    return jnp.take(table, indices, axis=0)

if __name__ == "__main__":
    import jax
    _d = setup_inputs()
    print(jax.jit(kernel)(*tuple(_d.values())))

</pallas_src>

<mosaic_0001>
#map = affine_map<(d0, d1) -> (0)>
module attributes {stable_mosaic.version = 14 : i64} {
  func.func @lookup(%arg0: i32, %arg1: i32, %arg2: memref<1000000xi32, #tpu.memory_space<hbm>>, %arg3: memref<4194304xf32, #tpu.memory_space<hbm>>, %arg4: memref<8000000xf32, #tpu.memory_space<hbm>>, %arg5: memref<2x524288x8xf32, #tpu.memory_space<hbm>>, %arg6: memref<1016xi32, #tpu.memory_space<vmem>>, %arg7: memref<8x128xi32, #tpu.memory_space<vmem>>, %arg8: memref<1008xi32, #tpu.memory_space<vmem>>, %arg9: memref<1000x8xf32, #tpu.memory_space<vmem>>, %arg10: memref<8064xf32, #tpu.memory_space<vmem>>, %arg11: memref<8192xf32, #tpu.memory_space<vmem>>, %arg12: memref<1024x8xf32, #tpu.memory_space<vmem>>, %arg13: memref<16xf32, #tpu.memory_space<vmem>>, %arg14: memref<!tpu.dma_semaphore, #tpu.memory_space<semaphore_mem>>) attributes {dimension_semantics = [#tpu.dimension_semantics<core_parallel>, #tpu.dimension_semantics<subcore_parallel>], iteration_bounds = array<i64: 2, 16>, scalar_prefetch = 0 : i64, scratch_operands = 10 : i64, tpu.core_type = #tpu.core_type<sc_vector_subcore>, window_params = [{transform_indices = #map}, {transform_indices = #map}, {transform_indices = #map}]} {
    %mul3A = arith.constant 2 : i32
    %mul3A_0 = arith.muli %arg1, %mul3A : i32
    %add3A = arith.addi %mul3A_0, %arg0 : i32
    %iota3A = tpu.iota {dimensions = array<i32: 0>} : vector<16xi32>
    %mul3A_1 = arith.constant 3 : i32
    %mul3A_2 = vector.broadcast %mul3A_1 : i32 to vector<16xi32>
    %mul3A_3 = arith.muli %iota3A, %mul3A_2 : vector<16xi32>
    %shift_right_arithmetic3A = arith.constant 3 : i32
    %shift_right_arithmetic3A_4 = vector.broadcast %shift_right_arithmetic3A : i32 to vector<16xi32>
    %shift_right_arithmetic3A_5 = arith.shrsi %iota3A, %shift_right_arithmetic3A_4 : vector<16xi32>
    %and3A = arith.constant 7 : i32
    %and3A_6 = vector.broadcast %and3A : i32 to vector<16xi32>
    %and3A_7 = arith.andi %iota3A, %and3A_6 : vector<16xi32>
    %eq3A = arith.constant 0 : i32
    %eq3A_8 = arith.cmpi eq, %arg0, %eq3A : i32
    %convert_element_type3A = arith.extui %eq3A_8 : i1 to i32
    %cond3A = arith.constant 0 : i32
    %cond3A_9 = arith.constant 0 : i32
    %cond3A_10 = arith.cmpi ne, %convert_element_type3A, %cond3A_9 : i32
    scf.if %cond3A_10 {
      %scan3A = arith.constant 0 : i32
      %scan3A_70 = arith.constant 32 : i32
      %scan3A_71 = arith.addi %scan3A, %scan3A_70 : i32
      %scan3A_72 = arith.constant 1 : i32
      scf.for %scan3A_74 = %scan3A to %scan3A_71 step %scan3A_72  : i32 {
        %mul3A_75 = arith.constant 32768 : i32
        %mul3A_76 = arith.muli %arg1, %mul3A_75 : i32
        %mul3A_77 = arith.constant 1024 : i32
        %mul3A_78 = arith.muli %scan3A_74, %mul3A_77 : i32
        %add3A_79 = arith.addi %mul3A_76, %mul3A_78 : i32
        %mul3A_80 = arith.constant 8 : i32
        %mul3A_81 = arith.muli %add3A_79, %mul3A_80 : i32
        "tpu.region"() ({
          %run_scoped3A = tpu.sem_alloc : memref<!tpu.dma_semaphore, #tpu.memory_space<semaphore_mem>>
          %dma_start3A = tpu.memref_slice %arg3[%mul3A_81] : memref<4194304xf32, #tpu.memory_space<hbm>> -> memref<8192xf32, #tpu.memory_space<hbm>>
          %dma_start3A_87 = tpu.memref_slice %arg3[%mul3A_81] : memref<4194304xf32, #tpu.memory_space<hbm>> -> memref<8192xf32, #tpu.memory_space<hbm>>
          tpu.enqueue_dma source(%dma_start3A_87 : memref<8192xf32, #tpu.memory_space<hbm>>) target(%arg11 : memref<8192xf32, #tpu.memory_space<vmem>>) target_semaphore(%run_scoped3A : memref<!tpu.dma_semaphore, #tpu.memory_space<semaphore_mem>>)
          %dma_wait3A = tpu.memref_slice %arg3[%mul3A_81] : memref<4194304xf32, #tpu.memory_space<hbm>> -> memref<8192xf32, #tpu.memory_space<hbm>>
          %dma_wait3A_88 = tpu.memref_slice %arg3[%mul3A_81] : memref<4194304xf32, #tpu.memory_space<hbm>> -> memref<8192xf32, #tpu.memory_space<hbm>>
          tpu.wait_dma2 semaphore(%run_scoped3A : memref<!tpu.dma_semaphore, #tpu.memory_space<semaphore_mem>>) src(%dma_wait3A_88 : memref<8192xf32, #tpu.memory_space<hbm>>) dst(%arg11 : memref<8192xf32, #tpu.memory_space<vmem>>)
          tpu.yield
        }) : () -> ()
        %scan3A_82 = arith.constant 0 : i32
        %scan3A_83 = arith.constant 512 : i32
        %scan3A_84 = arith.addi %scan3A_82, %scan3A_83 : i32
        %scan3A_85 = arith.constant 1 : i32
        scf.for %scan3A_87 = %scan3A_82 to %scan3A_84 step %scan3A_85  : i32 {
          %mul3A_88 = arith.constant 16 : i32
          %mul3A_89 = arith.muli %scan3A_87, %mul3A_88 : i32
          %get3A = arith.index_cast %mul3A_89 : i32 to index
          %get3A_90 = tpu.vector_load %arg11[%get3A] {strides = array<i32>} : memref<8192xf32, #tpu.memory_space<vmem>>, vector<16xf32>,
          %mul3A_91 = arith.constant 2 : i32
          %mul3A_92 = arith.muli %scan3A_87, %mul3A_91 : i32
          %add3A_93 = vector.broadcast %mul3A_92 : i32 to vector<16xi32>
          %add3A_94 = arith.addi %add3A_93, %shift_right_arithmetic3A_5 : vector<16xi32>
          tpu.vector_store_idx %arg12[%add3A_94, %and3A_7], %get3A_90 : memref<1024x8xf32, #tpu.memory_space<vmem>>[vector<16xi32>, vector<16xi32>], vector<16xf32>,
        }
        %scan3A_86 = arith.constant 512 : i32
        "tpu.region"() ({
          %run_scoped3A = tpu.sem_alloc : memref<!tpu.dma_semaphore, #tpu.memory_space<semaphore_mem>>
          %dma_start3A = arith.constant 0 : i32
          %dma_start3A_87 = arith.constant 0 : i32
          %dma_start3A_88 = tpu.memref_slice %arg5[%cond3A, %dma_start3A, %dma_start3A_87] : memref<2x524288x8xf32, #tpu.memory_space<hbm>> -> memref<1x524288x8xf32, #tpu.memory_space<hbm>>
          %dma_start3A_89 = tpu.memref_squeeze %dma_start3A_88 : memref<1x524288x8xf32, #tpu.memory_space<hbm>> -> memref<524288x8xf32, #tpu.memory_space<hbm>>
          %dma_start3A_90 = arith.constant 0 : i32
          %dma_start3A_91 = tpu.memref_slice %dma_start3A_89[%add3A_79, %dma_start3A_90] : memref<524288x8xf32, #tpu.memory_space<hbm>> -> memref<1024x8xf32, #tpu.memory_space<hbm>>
          %dma_start3A_92 = arith.constant 0 : i32
          %dma_start3A_93 = arith.constant 0 : i32
          %dma_start3A_94 = tpu.memref_slice %arg5[%cond3A, %dma_start3A_92, %dma_start3A_93] : memref<2x524288x8xf32, #tpu.memory_space<hbm>> -> memref<1x524288x8xf32, #tpu.memory_space<hbm>>
          %dma_start3A_95 = tpu.memref_squeeze %dma_start3A_94 : memref<1x524288x8xf32, #tpu.memory_space<hbm>> -> memref<524288x8xf32, #tpu.memory_space<hbm>>
          %dma_start3A_96 = arith.constant 0 : i32
          %dma_start3A_97 = tpu.memref_slice %dma_start3A_95[%add3A_79, %dma_start3A_96] : memref<524288x8xf32, #tpu.memory_space<hbm>> -> memref<1024x8xf32, #tpu.memory_space<hbm>>
          tpu.enqueue_dma source(%arg12 : memref<1024x8xf32, #tpu.memory_space<vmem>>) target(%dma_start3A_97 : memref<1024x8xf32, #tpu.memory_space<hbm>>) target_semaphore(%run_scoped3A : memref<!tpu.dma_semaphore, #tpu.memory_space<semaphore_mem>>)
          %dma_wait3A = arith.constant 0 : i32
          %dma_wait3A_98 = arith.constant 0 : i32
          %dma_wait3A_99 = tpu.memref_slice %arg5[%cond3A, %dma_wait3A, %dma_wait3A_98] : memref<2x524288x8xf32, #tpu.memory_space<hbm>> -> memref<1x524288x8xf32, #tpu.memory_space<hbm>>
          %dma_wait3A_100 = tpu.memref_squeeze %dma_wait3A_99 : memref<1x524288x8xf32, #tpu.memory_space<hbm>> -> memref<524288x8xf32, #tpu.memory_space<hbm>>
          %dma_wait3A_101 = arith.constant 0 : i32
          %dma_wait3A_102 = tpu.memref_slice %dma_wait3A_100[%add3A_79, %dma_wait3A_101] : memref<524288x8xf32, #tpu.memory_space<hbm>> -> memref<1024x8xf32, #tpu.memory_space<hbm>>
          %dma_wait3A_103 = arith.constant 0 : i32
          %dma_wait3A_104 = arith.constant 0 : i32
          %dma_wait3A_105 = tpu.memref_slice %arg5[%cond3A, %dma_wait3A_103, %dma_wait3A_104] : memref<2x524288x8xf32, #tpu.memory_space<hbm>> -> memref<1x524288x8xf32, #tpu.memory_space<hbm>>
          %dma_wait3A_106 = tpu.memref_squeeze %dma_wait3A_105 : memref<1x524288x8xf32, #tpu.memory_space<hbm>> -> memref<524288x8xf32, #tpu.memory_space<hbm>>
          %dma_wait3A_107 = arith.constant 0 : i32
          %dma_wait3A_108 = tpu.memref_slice %dma_wait3A_106[%add3A_79, %dma_wait3A_107] : memref<524288x8xf32, #tpu.memory_space<hbm>> -> memref<1024x8xf32, #tpu.memory_space<hbm>>
          tpu.wait_dma2 semaphore(%run_scoped3A : memref<!tpu.dma_semaphore, #tpu.memory_space<semaphore_mem>>) src(%arg12 : memref<1024x8xf32, #tpu.memory_space<vmem>>) dst(%dma_wait3A_108 : memref<1024x8xf32, #tpu.memory_space<hbm>>)
          tpu.yield
        }) : () -> ()
      }
      %scan3A_73 = arith.constant 32 : i32
    } else {
    }
    %eq3A_11 = arith.constant 1 : i32
    %eq3A_12 = arith.cmpi eq, %arg0, %eq3A_11 : i32
    %convert_element_type3A_13 = arith.extui %eq3A_12 : i1 to i32
    %cond3A_14 = arith.constant 1 : i32
    %cond3A_15 = arith.constant 0 : i32
    %cond3A_16 = arith.cmpi ne, %convert_element_type3A_13, %cond3A_15 : i32
    scf.if %cond3A_16 {
      %scan3A = arith.constant 0 : i32
      %scan3A_70 = arith.constant 32 : i32
      %scan3A_71 = arith.addi %scan3A, %scan3A_70 : i32
      %scan3A_72 = arith.constant 1 : i32
      scf.for %scan3A_74 = %scan3A to %scan3A_71 step %scan3A_72  : i32 {
        %mul3A_75 = arith.constant 32768 : i32
        %mul3A_76 = arith.muli %arg1, %mul3A_75 : i32
        %mul3A_77 = arith.constant 1024 : i32
        %mul3A_78 = arith.muli %scan3A_74, %mul3A_77 : i32
        %add3A_79 = arith.addi %mul3A_76, %mul3A_78 : i32
        %mul3A_80 = arith.constant 8 : i32
        %mul3A_81 = arith.muli %add3A_79, %mul3A_80 : i32
        "tpu.region"() ({
          %run_scoped3A = tpu.sem_alloc : memref<!tpu.dma_semaphore, #tpu.memory_space<semaphore_mem>>
          %dma_start3A = tpu.memref_slice %arg3[%mul3A_81] : memref<4194304xf32, #tpu.memory_space<hbm>> -> memref<8192xf32, #tpu.memory_space<hbm>>
          %dma_start3A_87 = tpu.memref_slice %arg3[%mul3A_81] : memref<4194304xf32, #tpu.memory_space<hbm>> -> memref<8192xf32, #tpu.memory_space<hbm>>
          tpu.enqueue_dma source(%dma_start3A_87 : memref<8192xf32, #tpu.memory_space<hbm>>) target(%arg11 : memref<8192xf32, #tpu.memory_space<vmem>>) target_semaphore(%run_scoped3A : memref<!tpu.dma_semaphore, #tpu.memory_space<semaphore_mem>>)
          %dma_wait3A = tpu.memref_slice %arg3[%mul3A_81] : memref<4194304xf32, #tpu.memory_space<hbm>> -> memref<8192xf32, #tpu.memory_space<hbm>>
          %dma_wait3A_88 = tpu.memref_slice %arg3[%mul3A_81] : memref<4194304xf32, #tpu.memory_space<hbm>> -> memref<8192xf32, #tpu.memory_space<hbm>>
          tpu.wait_dma2 semaphore(%run_scoped3A : memref<!tpu.dma_semaphore, #tpu.memory_space<semaphore_mem>>) src(%dma_wait3A_88 : memref<8192xf32, #tpu.memory_space<hbm>>) dst(%arg11 : memref<8192xf32, #tpu.memory_space<vmem>>)
          tpu.yield
        }) : () -> ()
        %scan3A_82 = arith.constant 0 : i32
        %scan3A_83 = arith.constant 512 : i32
        %scan3A_84 = arith.addi %scan3A_82, %scan3A_83 : i32
        %scan3A_85 = arith.constant 1 : i32
        scf.for %scan3A_87 = %scan3A_82 to %scan3A_84 step %scan3A_85  : i32 {
          %mul3A_88 = arith.constant 16 : i32
          %mul3A_89 = arith.muli %scan3A_87, %mul3A_88 : i32
          %get3A = arith.index_cast %mul3A_89 : i32 to index
          %get3A_90 = tpu.vector_load %arg11[%get3A] {strides = array<i32>} : memref<8192xf32, #tpu.memory_space<vmem>>, vector<16xf32>,
          %mul3A_91 = arith.constant 2 : i32
          %mul3A_92 = arith.muli %scan3A_87, %mul3A_91 : i32
          %add3A_93 = vector.broadcast %mul3A_92 : i32 to vector<16xi32>
          %add3A_94 = arith.addi %add3A_93, %shift_right_arithmetic3A_5 : vector<16xi32>
          tpu.vector_store_idx %arg12[%add3A_94, %and3A_7], %get3A_90 : memref<1024x8xf32, #tpu.memory_space<vmem>>[vector<16xi32>, vector<16xi32>], vector<16xf32>,
        }
        %scan3A_86 = arith.constant 512 : i32
        "tpu.region"() ({
          %run_scoped3A = tpu.sem_alloc : memref<!tpu.dma_semaphore, #tpu.memory_space<semaphore_mem>>
          %dma_start3A = arith.constant 0 : i32
          %dma_start3A_87 = arith.constant 0 : i32
          %dma_start3A_88 = tpu.memref_slice %arg5[%cond3A_14, %dma_start3A, %dma_start3A_87] : memref<2x524288x8xf32, #tpu.memory_space<hbm>> -> memref<1x524288x8xf32, #tpu.memory_space<hbm>>
          %dma_start3A_89 = tpu.memref_squeeze %dma_start3A_88 : memref<1x524288x8xf32, #tpu.memory_space<hbm>> -> memref<524288x8xf32, #tpu.memory_space<hbm>>
          %dma_start3A_90 = arith.constant 0 : i32
          %dma_start3A_91 = tpu.memref_slice %dma_start3A_89[%add3A_79, %dma_start3A_90] : memref<524288x8xf32, #tpu.memory_space<hbm>> -> memref<1024x8xf32, #tpu.memory_space<hbm>>
          %dma_start3A_92 = arith.constant 0 : i32
          %dma_start3A_93 = arith.constant 0 : i32
          %dma_start3A_94 = tpu.memref_slice %arg5[%cond3A_14, %dma_start3A_92, %dma_start3A_93] : memref<2x524288x8xf32, #tpu.memory_space<hbm>> -> memref<1x524288x8xf32, #tpu.memory_space<hbm>>
          %dma_start3A_95 = tpu.memref_squeeze %dma_start3A_94 : memref<1x524288x8xf32, #tpu.memory_space<hbm>> -> memref<524288x8xf32, #tpu.memory_space<hbm>>
          %dma_start3A_96 = arith.constant 0 : i32
          %dma_start3A_97 = tpu.memref_slice %dma_start3A_95[%add3A_79, %dma_start3A_96] : memref<524288x8xf32, #tpu.memory_space<hbm>> -> memref<1024x8xf32, #tpu.memory_space<hbm>>
          tpu.enqueue_dma source(%arg12 : memref<1024x8xf32, #tpu.memory_space<vmem>>) target(%dma_start3A_97 : memref<1024x8xf32, #tpu.memory_space<hbm>>) target_semaphore(%run_scoped3A : memref<!tpu.dma_semaphore, #tpu.memory_space<semaphore_mem>>)
          %dma_wait3A = arith.constant 0 : i32
          %dma_wait3A_98 = arith.constant 0 : i32
          %dma_wait3A_99 = tpu.memref_slice %arg5[%cond3A_14, %dma_wait3A, %dma_wait3A_98] : memref<2x524288x8xf32, #tpu.memory_space<hbm>> -> memref<1x524288x8xf32, #tpu.memory_space<hbm>>
          %dma_wait3A_100 = tpu.memref_squeeze %dma_wait3A_99 : memref<1x524288x8xf32, #tpu.memory_space<hbm>> -> memref<524288x8xf32, #tpu.memory_space<hbm>>
          %dma_wait3A_101 = arith.constant 0 : i32
          %dma_wait3A_102 = tpu.memref_slice %dma_wait3A_100[%add3A_79, %dma_wait3A_101] : memref<524288x8xf32, #tpu.memory_space<hbm>> -> memref<1024x8xf32, #tpu.memory_space<hbm>>
          %dma_wait3A_103 = arith.constant 0 : i32
          %dma_wait3A_104 = arith.constant 0 : i32
          %dma_wait3A_105 = tpu.memref_slice %arg5[%cond3A_14, %dma_wait3A_103, %dma_wait3A_104] : memref<2x524288x8xf32, #tpu.memory_space<hbm>> -> memref<1x524288x8xf32, #tpu.memory_space<hbm>>
          %dma_wait3A_106 = tpu.memref_squeeze %dma_wait3A_105 : memref<1x524288x8xf32, #tpu.memory_space<hbm>> -> memref<524288x8xf32, #tpu.memory_space<hbm>>
          %dma_wait3A_107 = arith.constant 0 : i32
          %dma_wait3A_108 = tpu.memref_slice %dma_wait3A_106[%add3A_79, %dma_wait3A_107] : memref<524288x8xf32, #tpu.memory_space<hbm>> -> memref<1024x8xf32, #tpu.memory_space<hbm>>
          tpu.wait_dma2 semaphore(%run_scoped3A : memref<!tpu.dma_semaphore, #tpu.memory_space<semaphore_mem>>) src(%arg12 : memref<1024x8xf32, #tpu.memory_space<vmem>>) dst(%dma_wait3A_108 : memref<1024x8xf32, #tpu.memory_space<hbm>>)
          tpu.yield
        }) : () -> ()
      }
      %scan3A_73 = arith.constant 32 : i32
    } else {
    }
    %barrier3A = arith.constant 0 : index
    tpu.barrier barrier_id(%barrier3A)
    %broadcast_in_dim3A = arith.constant 0 : i32
    %broadcast_in_dim3A_17 = vector.broadcast %broadcast_in_dim3A : i32 to vector<16xi32>
    %swap3A = arith.constant 1000 : index
    %swap3A_18 = tpu.vector_load %arg6[%swap3A] {strides = array<i32>} : memref<1016xi32, #tpu.memory_space<vmem>>, vector<16xi32>,
    tpu.vector_store %arg6[%swap3A], %broadcast_in_dim3A_17 {strides = array<i32>} : memref<1016xi32, #tpu.memory_space<vmem>>, vector<16xi32>,
    "tpu.region"() ({
      %run_scoped3A = tpu.sem_alloc : memref<!tpu.dma_semaphore, #tpu.memory_space<semaphore_mem>>
      %dma_start3A = arith.constant 4194288 : i32
      %dma_start3A_70 = tpu.memref_slice %arg3[%dma_start3A] : memref<4194304xf32, #tpu.memory_space<hbm>> -> memref<16xf32, #tpu.memory_space<hbm>>
      %dma_start3A_71 = arith.constant 4194288 : i32
      %dma_start3A_72 = tpu.memref_slice %arg3[%dma_start3A_71] : memref<4194304xf32, #tpu.memory_space<hbm>> -> memref<16xf32, #tpu.memory_space<hbm>>
      tpu.enqueue_dma source(%dma_start3A_72 : memref<16xf32, #tpu.memory_space<hbm>>) target(%arg13 : memref<16xf32, #tpu.memory_space<vmem>>) target_semaphore(%run_scoped3A : memref<!tpu.dma_semaphore, #tpu.memory_space<semaphore_mem>>)
      %dma_wait3A = arith.constant 4194288 : i32
      %dma_wait3A_73 = tpu.memref_slice %arg3[%dma_wait3A] : memref<4194304xf32, #tpu.memory_space<hbm>> -> memref<16xf32, #tpu.memory_space<hbm>>
      %dma_wait3A_74 = arith.constant 4194288 : i32
      %dma_wait3A_75 = tpu.memref_slice %arg3[%dma_wait3A_74] : memref<4194304xf32, #tpu.memory_space<hbm>> -> memref<16xf32, #tpu.memory_space<hbm>>
      tpu.wait_dma2 semaphore(%run_scoped3A : memref<!tpu.dma_semaphore, #tpu.memory_space<semaphore_mem>>) src(%dma_wait3A_75 : memref<16xf32, #tpu.memory_space<hbm>>) dst(%arg13 : memref<16xf32, #tpu.memory_space<vmem>>)
      tpu.yield
    }) : () -> ()
    %broadcast_in_dim3A_19 = arith.constant 0 : i32
    %broadcast_in_dim3A_20 = vector.broadcast %broadcast_in_dim3A_19 : i32 to vector<16xi32>
    %broadcast_in_dim3A_21 = arith.constant 1 : i32
    %broadcast_in_dim3A_22 = vector.broadcast %broadcast_in_dim3A_21 : i32 to vector<16xi32>
    %broadcast_in_dim3A_23 = arith.constant 2 : i32
    %broadcast_in_dim3A_24 = vector.broadcast %broadcast_in_dim3A_23 : i32 to vector<16xi32>
    %broadcast_in_dim3A_25 = arith.constant 3 : i32
    %broadcast_in_dim3A_26 = vector.broadcast %broadcast_in_dim3A_25 : i32 to vector<16xi32>
    %broadcast_in_dim3A_27 = arith.constant 4 : i32
    %broadcast_in_dim3A_28 = vector.broadcast %broadcast_in_dim3A_27 : i32 to vector<16xi32>
    %broadcast_in_dim3A_29 = arith.constant 5 : i32
    %broadcast_in_dim3A_30 = vector.broadcast %broadcast_in_dim3A_29 : i32 to vector<16xi32>
    %broadcast_in_dim3A_31 = arith.constant 6 : i32
    %broadcast_in_dim3A_32 = vector.broadcast %broadcast_in_dim3A_31 : i32 to vector<16xi32>
    %broadcast_in_dim3A_33 = arith.constant 7 : i32
    %broadcast_in_dim3A_34 = vector.broadcast %broadcast_in_dim3A_33 : i32 to vector<16xi32>
    %broadcast_in_dim3A_35 = arith.constant 8 : i32
    %broadcast_in_dim3A_36 = vector.broadcast %broadcast_in_dim3A_35 : i32 to vector<16xi32>
    %gather3A = tpu.vector_load_idx %arg13[%broadcast_in_dim3A_36] : memref<16xf32, #tpu.memory_space<vmem>>[vector<16xi32>], vector<16xf32>,
    %broadcast_in_dim3A_37 = arith.constant 9 : i32
    %broadcast_in_dim3A_38 = vector.broadcast %broadcast_in_dim3A_37 : i32 to vector<16xi32>
    %gather3A_39 = tpu.vector_load_idx %arg13[%broadcast_in_dim3A_38] : memref<16xf32, #tpu.memory_space<vmem>>[vector<16xi32>], vector<16xf32>,
    %broadcast_in_dim3A_40 = arith.constant 10 : i32
    %broadcast_in_dim3A_41 = vector.broadcast %broadcast_in_dim3A_40 : i32 to vector<16xi32>
    %gather3A_42 = tpu.vector_load_idx %arg13[%broadcast_in_dim3A_41] : memref<16xf32, #tpu.memory_space<vmem>>[vector<16xi32>], vector<16xf32>,
    %broadcast_in_dim3A_43 = arith.constant 11 : i32
    %broadcast_in_dim3A_44 = vector.broadcast %broadcast_in_dim3A_43 : i32 to vector<16xi32>
    %gather3A_45 = tpu.vector_load_idx %arg13[%broadcast_in_dim3A_44] : memref<16xf32, #tpu.memory_space<vmem>>[vector<16xi32>], vector<16xf32>,
    %broadcast_in_dim3A_46 = arith.constant 12 : i32
    %broadcast_in_dim3A_47 = vector.broadcast %broadcast_in_dim3A_46 : i32 to vector<16xi32>
    %gather3A_48 = tpu.vector_load_idx %arg13[%broadcast_in_dim3A_47] : memref<16xf32, #tpu.memory_space<vmem>>[vector<16xi32>], vector<16xf32>,
    %broadcast_in_dim3A_49 = arith.constant 13 : i32
    %broadcast_in_dim3A_50 = vector.broadcast %broadcast_in_dim3A_49 : i32 to vector<16xi32>
    %gather3A_51 = tpu.vector_load_idx %arg13[%broadcast_in_dim3A_50] : memref<16xf32, #tpu.memory_space<vmem>>[vector<16xi32>], vector<16xf32>,
    %broadcast_in_dim3A_52 = arith.constant 14 : i32
    %broadcast_in_dim3A_53 = vector.broadcast %broadcast_in_dim3A_52 : i32 to vector<16xi32>
    %gather3A_54 = tpu.vector_load_idx %arg13[%broadcast_in_dim3A_53] : memref<16xf32, #tpu.memory_space<vmem>>[vector<16xi32>], vector<16xf32>,
    %broadcast_in_dim3A_55 = arith.constant 15 : i32
    %broadcast_in_dim3A_56 = vector.broadcast %broadcast_in_dim3A_55 : i32 to vector<16xi32>
    %gather3A_57 = tpu.vector_load_idx %arg13[%broadcast_in_dim3A_56] : memref<16xf32, #tpu.memory_space<vmem>>[vector<16xi32>], vector<16xf32>,
    %eq3A_58 = arith.constant 0 : i32
    %eq3A_59 = arith.cmpi eq, %arg0, %eq3A_58 : i32
    %convert_element_type3A_60 = arith.extui %eq3A_59 : i1 to i32
    %cond3A_61 = arith.constant 0 : i32
    %cond3A_62 = arith.constant 0 : i32
    %cond3A_63 = arith.cmpi ne, %convert_element_type3A_60, %cond3A_62 : i32
    scf.if %cond3A_63 {
      %scan3A = arith.constant 0 : i32
      %scan3A_70 = arith.constant 32 : i32
      %scan3A_71 = arith.addi %scan3A, %scan3A_70 : i32
      %scan3A_72 = arith.constant 1 : i32
      scf.for %scan3A_74 = %scan3A to %scan3A_71 step %scan3A_72  : i32 {
        %mul3A_75 = arith.constant 32 : i32
        %mul3A_76 = arith.muli %scan3A_74, %mul3A_75 : i32
        %add3A_77 = arith.addi %mul3A_76, %add3A : i32
        %lt3A = arith.constant 1000 : i32
        %lt3A_78 = arith.cmpi slt, %add3A_77, %lt3A : i32
        %convert_element_type3A_79 = arith.extui %lt3A_78 : i1 to i32
        %cond3A_80 = arith.constant 0 : i32
        %cond3A_81 = arith.cmpi ne, %convert_element_type3A_79, %cond3A_80 : i32
        scf.if %cond3A_81 {
          %mul3A_82 = arith.constant 1000 : i32
          %mul3A_83 = arith.muli %add3A_77, %mul3A_82 : i32
          "tpu.region"() ({
            %run_scoped3A = tpu.sem_alloc : memref<!tpu.dma_semaphore, #tpu.memory_space<semaphore_mem>>
            %dma_start3A_318 = arith.constant 0 : i32
            %dma_start3A_319 = tpu.memref_slice %arg6[%dma_start3A_318] : memref<1016xi32, #tpu.memory_space<vmem>> -> memref<1000xi32, #tpu.memory_space<vmem>>
            %dma_start3A_320 = tpu.memref_slice %arg2[%mul3A_83] : memref<1000000xi32, #tpu.memory_space<hbm>> -> memref<1000xi32, #tpu.memory_space<hbm>>
            %dma_start3A_321 = arith.constant 0 : i32
            %dma_start3A_322 = tpu.memref_slice %arg6[%dma_start3A_321] : memref<1016xi32, #tpu.memory_space<vmem>> -> memref<1000xi32, #tpu.memory_space<vmem>>
            %dma_start3A_323 = tpu.memref_slice %arg2[%mul3A_83] : memref<1000000xi32, #tpu.memory_space<hbm>> -> memref<1000xi32, #tpu.memory_space<hbm>>
            tpu.enqueue_dma source(%dma_start3A_323 : memref<1000xi32, #tpu.memory_space<hbm>>) target(%dma_start3A_322 : memref<1000xi32, #tpu.memory_space<vmem>>) target_semaphore(%run_scoped3A : memref<!tpu.dma_semaphore, #tpu.memory_space<semaphore_mem>>)
            %dma_wait3A_324 = arith.constant 0 : i32
            %dma_wait3A_325 = tpu.memref_slice %arg6[%dma_wait3A_324] : memref<1016xi32, #tpu.memory_space<vmem>> -> memref<1000xi32, #tpu.memory_space<vmem>>
            %dma_wait3A_326 = tpu.memref_slice %arg2[%mul3A_83] : memref<1000000xi32, #tpu.memory_space<hbm>> -> memref<1000xi32, #tpu.memory_space<hbm>>
            %dma_wait3A_327 = arith.constant 0 : i32
            %dma_wait3A_328 = tpu.memref_slice %arg6[%dma_wait3A_327] : memref<1016xi32, #tpu.memory_space<vmem>> -> memref<1000xi32, #tpu.memory_space<vmem>>
            %dma_wait3A_329 = tpu.memref_slice %arg2[%mul3A_83] : memref<1000000xi32, #tpu.memory_space<hbm>> -> memref<1000xi32, #tpu.memory_space<hbm>>
            tpu.wait_dma2 semaphore(%run_scoped3A : memref<!tpu.dma_semaphore, #tpu.memory_space<semaphore_mem>>) src(%dma_wait3A_329 : memref<1000xi32, #tpu.memory_space<hbm>>) dst(%dma_wait3A_328 : memref<1000xi32, #tpu.memory_space<vmem>>)
            tpu.yield
          }) : () -> ()
          %scan3A_84 = arith.constant 0 : i32
          %scan3A_85 = arith.constant 63 : i32
          %scan3A_86 = arith.addi %scan3A_84, %scan3A_85 : i32
          %scan3A_87 = arith.constant 1 : i32
          scf.for %scan3A_318 = %scan3A_84 to %scan3A_86 step %scan3A_87  : i32 {
            %mul3A_319 = arith.constant 16 : i32
            %mul3A_320 = arith.muli %scan3A_318, %mul3A_319 : i32
            %get3A = arith.index_cast %mul3A_320 : i32 to index
            %get3A_321 = tpu.vector_load %arg6[%get3A] {strides = array<i32>} : memref<1016xi32, #tpu.memory_space<vmem>>, vector<16xi32>,
            %lt3A_322 = arith.constant 524287 : i32
            %lt3A_323 = vector.broadcast %lt3A_322 : i32 to vector<16xi32>
            %lt3A_324 = arith.cmpi slt, %get3A_321, %lt3A_323 : vector<16xi32>
            %mul3A_325 = arith.constant 16 : i32
            %mul3A_326 = arith.muli %scan3A_318, %mul3A_325 : i32
            %add3A_327 = vector.broadcast %mul3A_326 : i32 to vector<16xi32>
            %add3A_328 = arith.addi %iota3A, %add3A_327 : vector<16xi32>
            %add3A_329 = vector.broadcast %mul3A_83 : i32 to vector<16xi32>
            %add3A_330 = arith.addi %add3A_329, %add3A_328 : vector<16xi32>
            %and3A_331 = arith.constant 524287 : i32
            %and3A_332 = vector.broadcast %and3A_331 : i32 to vector<16xi32>
            %and3A_333 = arith.andi %add3A_330, %and3A_332 : vector<16xi32>
            %select_n3A = arith.select %lt3A_324, %get3A_321, %and3A_333 : vector<16xi1>, vector<16xi32>
            %jit3A = arith.constant 8 : i32
            %div3A = arith.divsi %scan3A_318, %jit3A : i32
            %sign3A = arith.constant 0 : i32
            %sign3A_334 = arith.cmpi sgt, %scan3A_318, %sign3A : i32
            %sign3A_335 = arith.extui %sign3A_334 : i1 to i32
            %sign3A_336 = arith.constant 0 : i32
            %sign3A_337 = arith.cmpi slt, %scan3A_318, %sign3A_336 : i32
            %sign3A_338 = arith.extui %sign3A_337 : i1 to i32
            %sign3A_339 = arith.subi %sign3A_335, %sign3A_338 : i32
            %sign3A_340 = arith.constant 0 : i32
            %sign3A_341 = arith.cmpi sgt, %jit3A, %sign3A_340 : i32
            %sign3A_342 = arith.extui %sign3A_341 : i1 to i32
            %sign3A_343 = arith.constant 0 : i32
            %sign3A_344 = arith.cmpi slt, %jit3A, %sign3A_343 : i32
            %sign3A_345 = arith.extui %sign3A_344 : i1 to i32
            %sign3A_346 = arith.subi %sign3A_342, %sign3A_345 : i32
            %ne3A = arith.cmpi ne, %sign3A_339, %sign3A_346 : i32
            %rem3A = arith.remsi %scan3A_318, %jit3A : i32
            %ne3A_347 = arith.constant 0 : i32
            %ne3A_348 = arith.cmpi ne, %rem3A, %ne3A_347 : i32
            %and3A_349 = arith.andi %ne3A, %ne3A_348 : i1
            %sub3A = arith.constant 1 : i32
            %sub3A_350 = arith.subi %div3A, %sub3A : i32
            %select_n3A_351 = arith.select %and3A_349, %sub3A_350, %div3A : i32
            %jit3A_352 = arith.constant 8 : i32
            %eq3A_353 = arith.constant 0 : i32
            %eq3A_354 = arith.cmpi eq, %jit3A_352, %eq3A_353 : i32
            %jit3A_355 = arith.constant 1 : i32
            %select_n3A_356 = arith.select %eq3A_354, %jit3A_355, %jit3A_352 : i32
            %rem3A_357 = arith.remsi %scan3A_318, %select_n3A_356 : i32
            %ne3A_358 = arith.constant 0 : i32
            %ne3A_359 = arith.cmpi ne, %rem3A_357, %ne3A_358 : i32
            %lt3A_360 = arith.constant 0 : i32
            %lt3A_361 = arith.cmpi slt, %rem3A_357, %lt3A_360 : i32
            %lt3A_362 = arith.constant 0 : i32
            %lt3A_363 = arith.cmpi slt, %select_n3A_356, %lt3A_362 : i32
            %ne3A_364 = arith.xori %lt3A_361, %lt3A_363 : i1
            %and3A_365 = arith.andi %ne3A_364, %ne3A_359 : i1
            %add3A_366 = arith.addi %rem3A_357, %select_n3A_356 : i32
            %select_n3A_367 = arith.select %and3A_365, %add3A_366, %rem3A_357 : i32
            %mul3A_368 = arith.constant 16 : i32
            %mul3A_369 = arith.muli %select_n3A_367, %mul3A_368 : i32
            %swap3A_370 = arith.index_cast %select_n3A_351 : i32 to index
            %swap3A_371 = arith.index_cast %mul3A_369 : i32 to index
            %swap3A_372 = tpu.vector_load %arg7[%swap3A_370, %swap3A_371] {strides = array<i32>} : memref<8x128xi32, #tpu.memory_space<vmem>>, vector<16xi32>,
            tpu.vector_store %arg7[%swap3A_370, %swap3A_371], %select_n3A {strides = array<i32>} : memref<8x128xi32, #tpu.memory_space<vmem>>, vector<16xi32>,
            %convert_element_type3A_373 = arith.extui %lt3A_324 : vector<16xi1> to vector<16xi32>
            %mul3A_374 = arith.constant 16 : i32
            %mul3A_375 = arith.muli %scan3A_318, %mul3A_374 : i32
            %swap3A_376 = arith.index_cast %mul3A_375 : i32 to index
            %swap3A_377 = tpu.vector_load %arg8[%swap3A_376] {strides = array<i32>} : memref<1008xi32, #tpu.memory_space<vmem>>, vector<16xi32>,
            tpu.vector_store %arg8[%swap3A_376], %convert_element_type3A_373 {strides = array<i32>} : memref<1008xi32, #tpu.memory_space<vmem>>, vector<16xi32>,
          }
          %scan3A_88 = arith.constant 63 : i32
          %dma_start3A = arith.constant 0 : i32
          %dma_start3A_89 = arith.constant 0 : i32
          %dma_start3A_90 = arith.constant 0 : i32
          %dma_start3A_91 = tpu.memref_slice %arg9[%dma_start3A_89, %dma_start3A_90] : memref<1000x8xf32, #tpu.memory_space<vmem>> -> memref<128x8xf32, #tpu.memory_space<vmem>>
          %dma_start3A_92 = arith.constant 0 : i32
          %dma_start3A_93 = tpu.memref_slice %arg7[%dma_start3A, %dma_start3A_92] : memref<8x128xi32, #tpu.memory_space<vmem>> -> memref<1x128xi32, #tpu.memory_space<vmem>>
          %dma_start3A_94 = tpu.memref_squeeze %dma_start3A_93 : memref<1x128xi32, #tpu.memory_space<vmem>> -> memref<128xi32, #tpu.memory_space<vmem>>
          %dma_start3A_95 = arith.constant 0 : i32
          %dma_start3A_96 = arith.constant 0 : i32
          %dma_start3A_97 = tpu.memref_slice %arg5[%cond3A_61, %dma_start3A_95, %dma_start3A_96] : memref<2x524288x8xf32, #tpu.memory_space<hbm>> -> memref<1x524288x8xf32, #tpu.memory_space<hbm>>
          %dma_start3A_98 = tpu.memref_squeeze %dma_start3A_97 : memref<1x524288x8xf32, #tpu.memory_space<hbm>> -> memref<524288x8xf32, #tpu.memory_space<hbm>>
          %dma_start3A_99 = arith.constant 0 : i32
          %dma_start3A_100 = arith.constant 0 : i32
          %dma_start3A_101 = tpu.memref_slice %dma_start3A_98[%dma_start3A_99, %dma_start3A_100] : memref<524288x8xf32, #tpu.memory_space<hbm>> -> memref<524288x8xf32, #tpu.memory_space<hbm>>
          tpu.enqueue_indirect_dma source(%dma_start3A_101 : memref<524288x8xf32, #tpu.memory_space<hbm>>) target(%dma_start3A_91 : memref<128x8xf32, #tpu.memory_space<vmem>>) offsets(%dma_start3A_94 : memref<128xi32, #tpu.memory_space<vmem>>) semaphore(%arg14 : memref<!tpu.dma_semaphore, #tpu.memory_space<semaphore_mem>>)
          %dma_start3A_102 = arith.constant 1 : i32
          %dma_start3A_103 = arith.constant 128 : i32
          %dma_start3A_104 = arith.constant 0 : i32
          %dma_start3A_105 = tpu.memref_slice %arg9[%dma_start3A_103, %dma_start3A_104] : memref<1000x8xf32, #tpu.memory_space<vmem>> -> memref<128x8xf32, #tpu.memory_space<vmem>>
          %dma_start3A_106 = arith.constant 0 : i32
          %dma_start3A_107 = tpu.memref_slice %arg7[%dma_start3A_102, %dma_start3A_106] : memref<8x128xi32, #tpu.memory_space<vmem>> -> memref<1x128xi32, #tpu.memory_space<vmem>>
          %dma_start3A_108 = tpu.memref_squeeze %dma_start3A_107 : memref<1x128xi32, #tpu.memory_space<vmem>> -> memref<128xi32, #tpu.memory_space<vmem>>
          %dma_start3A_109 = arith.constant 0 : i32
          %dma_start3A_110 = arith.constant 0 : i32
          %dma_start3A_111 = tpu.memref_slice %arg5[%cond3A_61, %dma_start3A_109, %dma_start3A_110] : memref<2x524288x8xf32, #tpu.memory_space<hbm>> -> memref<1x524288x8xf32, #tpu.memory_space<hbm>>
          %dma_start3A_112 = tpu.memref_squeeze %dma_start3A_111 : memref<1x524288x8xf32, #tpu.memory_space<hbm>> -> memref<524288x8xf32, #tpu.memory_space<hbm>>
          %dma_start3A_113 = arith.constant 0 : i32
          %dma_start3A_114 = arith.constant 0 : i32
          %dma_start3A_115 = tpu.memref_slice %dma_start3A_112[%dma_start3A_113, %dma_start3A_114] : memref<524288x8xf32, #tpu.memory_space<hbm>> -> memref<524288x8xf32, #tpu.memory_space<hbm>>
          tpu.enqueue_indirect_dma source(%dma_start3A_115 : memref<524288x8xf32, #tpu.memory_space<hbm>>) target(%dma_start3A_105 : memref<128x8xf32, #tpu.memory_space<vmem>>) offsets(%dma_start3A_108 : memref<128xi32, #tpu.memory_space<vmem>>) semaphore(%arg14 : memref<!tpu.dma_semaphore, #tpu.memory_space<semaphore_mem>>)
          %dma_start3A_116 = arith.constant 2 : i32
          %dma_start3A_117 = arith.constant 256 : i32
          %dma_start3A_118 = arith.constant 0 : i32
          %dma_start3A_119 = tpu.memref_slice %arg9[%dma_start3A_117, %dma_start3A_118] : memref<1000x8xf32, #tpu.memory_space<vmem>> -> memref<128x8xf32, #tpu.memory_space<vmem>>
          %dma_start3A_120 = arith.constant 0 : i32
          %dma_start3A_121 = tpu.memref_slice %arg7[%dma_start3A_116, %dma_start3A_120] : memref<8x128xi32, #tpu.memory_space<vmem>> -> memref<1x128xi32, #tpu.memory_space<vmem>>
          %dma_start3A_122 = tpu.memref_squeeze %dma_start3A_121 : memref<1x128xi32, #tpu.memory_space<vmem>> -> memref<128xi32, #tpu.memory_space<vmem>>
          %dma_start3A_123 = arith.constant 0 : i32
          %dma_start3A_124 = arith.constant 0 : i32
          %dma_start3A_125 = tpu.memref_slice %arg5[%cond3A_61, %dma_start3A_123, %dma_start3A_124] : memref<2x524288x8xf32, #tpu.memory_space<hbm>> -> memref<1x524288x8xf32, #tpu.memory_space<hbm>>
          %dma_start3A_126 = tpu.memref_squeeze %dma_start3A_125 : memref<1x524288x8xf32, #tpu.memory_space<hbm>> -> memref<524288x8xf32, #tpu.memory_space<hbm>>
          %dma_start3A_127 = arith.constant 0 : i32
          %dma_start3A_128 = arith.constant 0 : i32
          %dma_start3A_129 = tpu.memref_slice %dma_start3A_126[%dma_start3A_127, %dma_start3A_128] : memref<524288x8xf32, #tpu.memory_space<hbm>> -> memref<524288x8xf32, #tpu.memory_space<hbm>>
          tpu.enqueue_indirect_dma source(%dma_start3A_129 : memref<524288x8xf32, #tpu.memory_space<hbm>>) target(%dma_start3A_119 : memref<128x8xf32, #tpu.memory_space<vmem>>) offsets(%dma_start3A_122 : memref<128xi32, #tpu.memory_space<vmem>>) semaphore(%arg14 : memref<!tpu.dma_semaphore, #tpu.memory_space<semaphore_mem>>)
          %dma_start3A_130 = arith.constant 3 : i32
          %dma_start3A_131 = arith.constant 384 : i32
          %dma_start3A_132 = arith.constant 0 : i32
          %dma_start3A_133 = tpu.memref_slice %arg9[%dma_start3A_131, %dma_start3A_132] : memref<1000x8xf32, #tpu.memory_space<vmem>> -> memref<128x8xf32, #tpu.memory_space<vmem>>
          %dma_start3A_134 = arith.constant 0 : i32
          %dma_start3A_135 = tpu.memref_slice %arg7[%dma_start3A_130, %dma_start3A_134] : memref<8x128xi32, #tpu.memory_space<vmem>> -> memref<1x128xi32, #tpu.memory_space<vmem>>
          %dma_start3A_136 = tpu.memref_squeeze %dma_start3A_135 : memref<1x128xi32, #tpu.memory_space<vmem>> -> memref<128xi32, #tpu.memory_space<vmem>>
          %dma_start3A_137 = arith.constant 0 : i32
          %dma_start3A_138 = arith.constant 0 : i32
          %dma_start3A_139 = tpu.memref_slice %arg5[%cond3A_61, %dma_start3A_137, %dma_start3A_138] : memref<2x524288x8xf32, #tpu.memory_space<hbm>> -> memref<1x524288x8xf32, #tpu.memory_space<hbm>>
          %dma_start3A_140 = tpu.memref_squeeze %dma_start3A_139 : memref<1x524288x8xf32, #tpu.memory_space<hbm>> -> memref<524288x8xf32, #tpu.memory_space<hbm>>
          %dma_start3A_141 = arith.constant 0 : i32
          %dma_start3A_142 = arith.constant 0 : i32
          %dma_start3A_143 = tpu.memref_slice %dma_start3A_140[%dma_start3A_141, %dma_start3A_142] : memref<524288x8xf32, #tpu.memory_space<hbm>> -> memref<524288x8xf32, #tpu.memory_space<hbm>>
          tpu.enqueue_indirect_dma source(%dma_start3A_143 : memref<524288x8xf32, #tpu.memory_space<hbm>>) target(%dma_start3A_133 : memref<128x8xf32, #tpu.memory_space<vmem>>) offsets(%dma_start3A_136 : memref<128xi32, #tpu.memory_space<vmem>>) semaphore(%arg14 : memref<!tpu.dma_semaphore, #tpu.memory_space<semaphore_mem>>)
          %dma_start3A_144 = arith.constant 4 : i32
          %dma_start3A_145 = arith.constant 512 : i32
          %dma_start3A_146 = arith.constant 0 : i32
          %dma_start3A_147 = tpu.memref_slice %arg9[%dma_start3A_145, %dma_start3A_146] : memref<1000x8xf32, #tpu.memory_space<vmem>> -> memref<128x8xf32, #tpu.memory_space<vmem>>
          %dma_start3A_148 = arith.constant 0 : i32
          %dma_start3A_149 = tpu.memref_slice %arg7[%dma_start3A_144, %dma_start3A_148] : memref<8x128xi32, #tpu.memory_space<vmem>> -> memref<1x128xi32, #tpu.memory_space<vmem>>
          %dma_start3A_150 = tpu.memref_squeeze %dma_start3A_149 : memref<1x128xi32, #tpu.memory_space<vmem>> -> memref<128xi32, #tpu.memory_space<vmem>>
          %dma_start3A_151 = arith.constant 0 : i32
          %dma_start3A_152 = arith.constant 0 : i32
          %dma_start3A_153 = tpu.memref_slice %arg5[%cond3A_61, %dma_start3A_151, %dma_start3A_152] : memref<2x524288x8xf32, #tpu.memory_space<hbm>> -> memref<1x524288x8xf32, #tpu.memory_space<hbm>>
          %dma_start3A_154 = tpu.memref_squeeze %dma_start3A_153 : memref<1x524288x8xf32, #tpu.memory_space<hbm>> -> memref<524288x8xf32, #tpu.memory_space<hbm>>
          %dma_start3A_155 = arith.constant 0 : i32
          %dma_start3A_156 = arith.constant 0 : i32
          %dma_start3A_157 = tpu.memref_slice %dma_start3A_154[%dma_start3A_155, %dma_start3A_156] : memref<524288x8xf32, #tpu.memory_space<hbm>> -> memref<524288x8xf32, #tpu.memory_space<hbm>>
          tpu.enqueue_indirect_dma source(%dma_start3A_157 : memref<524288x8xf32, #tpu.memory_space<hbm>>) target(%dma_start3A_147 : memref<128x8xf32, #tpu.memory_space<vmem>>) offsets(%dma_start3A_150 : memref<128xi32, #tpu.memory_space<vmem>>) semaphore(%arg14 : memref<!tpu.dma_semaphore, #tpu.memory_space<semaphore_mem>>)
          %dma_start3A_158 = arith.constant 5 : i32
          %dma_start3A_159 = arith.constant 640 : i32
          %dma_start3A_160 = arith.constant 0 : i32
          %dma_start3A_161 = tpu.memref_slice %arg9[%dma_start3A_159, %dma_start3A_160] : memref<1000x8xf32, #tpu.memory_space<vmem>> -> memref<128x8xf32, #tpu.memory_space<vmem>>
          %dma_start3A_162 = arith.constant 0 : i32
          %dma_start3A_163 = tpu.memref_slice %arg7[%dma_start3A_158, %dma_start3A_162] : memref<8x128xi32, #tpu.memory_space<vmem>> -> memref<1x128xi32, #tpu.memory_space<vmem>>
          %dma_start3A_164 = tpu.memref_squeeze %dma_start3A_163 : memref<1x128xi32, #tpu.memory_space<vmem>> -> memref<128xi32, #tpu.memory_space<vmem>>
          %dma_start3A_165 = arith.constant 0 : i32
          %dma_start3A_166 = arith.constant 0 : i32
          %dma_start3A_167 = tpu.memref_slice %arg5[%cond3A_61, %dma_start3A_165, %dma_start3A_166] : memref<2x524288x8xf32, #tpu.memory_space<hbm>> -> memref<1x524288x8xf32, #tpu.memory_space<hbm>>
          %dma_start3A_168 = tpu.memref_squeeze %dma_start3A_167 : memref<1x524288x8xf32, #tpu.memory_space<hbm>> -> memref<524288x8xf32, #tpu.memory_space<hbm>>
          %dma_start3A_169 = arith.constant 0 : i32
          %dma_start3A_170 = arith.constant 0 : i32
          %dma_start3A_171 = tpu.memref_slice %dma_start3A_168[%dma_start3A_169, %dma_start3A_170] : memref<524288x8xf32, #tpu.memory_space<hbm>> -> memref<524288x8xf32, #tpu.memory_space<hbm>>
          tpu.enqueue_indirect_dma source(%dma_start3A_171 : memref<524288x8xf32, #tpu.memory_space<hbm>>) target(%dma_start3A_161 : memref<128x8xf32, #tpu.memory_space<vmem>>) offsets(%dma_start3A_164 : memref<128xi32, #tpu.memory_space<vmem>>) semaphore(%arg14 : memref<!tpu.dma_semaphore, #tpu.memory_space<semaphore_mem>>)
          %dma_start3A_172 = arith.constant 6 : i32
          %dma_start3A_173 = arith.constant 768 : i32
          %dma_start3A_174 = arith.constant 0 : i32
          %dma_start3A_175 = tpu.memref_slice %arg9[%dma_start3A_173, %dma_start3A_174] : memref<1000x8xf32, #tpu.memory_space<vmem>> -> memref<128x8xf32, #tpu.memory_space<vmem>>
          %dma_start3A_176 = arith.constant 0 : i32
          %dma_start3A_177 = tpu.memref_slice %arg7[%dma_start3A_172, %dma_start3A_176] : memref<8x128xi32, #tpu.memory_space<vmem>> -> memref<1x128xi32, #tpu.memory_space<vmem>>
          %dma_start3A_178 = tpu.memref_squeeze %dma_start3A_177 : memref<1x128xi32, #tpu.memory_space<vmem>> -> memref<128xi32, #tpu.memory_space<vmem>>
          %dma_start3A_179 = arith.constant 0 : i32
          %dma_start3A_180 = arith.constant 0 : i32
          %dma_start3A_181 = tpu.memref_slice %arg5[%cond3A_61, %dma_start3A_179, %dma_start3A_180] : memref<2x524288x8xf32, #tpu.memory_space<hbm>> -> memref<1x524288x8xf32, #tpu.memory_space<hbm>>
          %dma_start3A_182 = tpu.memref_squeeze %dma_start3A_181 : memref<1x524288x8xf32, #tpu.memory_space<hbm>> -> memref<524288x8xf32, #tpu.memory_space<hbm>>
          %dma_start3A_183 = arith.constant 0 : i32
          %dma_start3A_184 = arith.constant 0 : i32
          %dma_start3A_185 = tpu.memref_slice %dma_start3A_182[%dma_start3A_183, %dma_start3A_184] : memref<524288x8xf32, #tpu.memory_space<hbm>> -> memref<524288x8xf32, #tpu.memory_space<hbm>>
          tpu.enqueue_indirect_dma source(%dma_start3A_185 : memref<524288x8xf32, #tpu.memory_space<hbm>>) target(%dma_start3A_175 : memref<128x8xf32, #tpu.memory_space<vmem>>) offsets(%dma_start3A_178 : memref<128xi32, #tpu.memory_space<vmem>>) semaphore(%arg14 : memref<!tpu.dma_semaphore, #tpu.memory_space<semaphore_mem>>)
          %dma_start3A_186 = arith.constant 7 : i32
          %dma_start3A_187 = arith.constant 896 : i32
          %dma_start3A_188 = arith.constant 0 : i32
          %dma_start3A_189 = tpu.memref_slice %arg9[%dma_start3A_187, %dma_start3A_188] : memref<1000x8xf32, #tpu.memory_space<vmem>> -> memref<104x8xf32, #tpu.memory_space<vmem>>
          %dma_start3A_190 = arith.constant 0 : i32
          %dma_start3A_191 = tpu.memref_slice %arg7[%dma_start3A_186, %dma_start3A_190] : memref<8x128xi32, #tpu.memory_space<vmem>> -> memref<1x104xi32, #tpu.memory_space<vmem>>
          %dma_start3A_192 = tpu.memref_squeeze %dma_start3A_191 : memref<1x104xi32, #tpu.memory_space<vmem>> -> memref<104xi32, #tpu.memory_space<vmem>>
          %dma_start3A_193 = arith.constant 0 : i32
          %dma_start3A_194 = arith.constant 0 : i32
          %dma_start3A_195 = tpu.memref_slice %arg5[%cond3A_61, %dma_start3A_193, %dma_start3A_194] : memref<2x524288x8xf32, #tpu.memory_space<hbm>> -> memref<1x524288x8xf32, #tpu.memory_space<hbm>>
          %dma_start3A_196 = tpu.memref_squeeze %dma_start3A_195 : memref<1x524288x8xf32, #tpu.memory_space<hbm>> -> memref<524288x8xf32, #tpu.memory_space<hbm>>
          %dma_start3A_197 = arith.constant 0 : i32
          %dma_start3A_198 = arith.constant 0 : i32
          %dma_start3A_199 = tpu.memref_slice %dma_start3A_196[%dma_start3A_197, %dma_start3A_198] : memref<524288x8xf32, #tpu.memory_space<hbm>> -> memref<524288x8xf32, #tpu.memory_space<hbm>>
          tpu.enqueue_indirect_dma source(%dma_start3A_199 : memref<524288x8xf32, #tpu.memory_space<hbm>>) target(%dma_start3A_189 : memref<104x8xf32, #tpu.memory_space<vmem>>) offsets(%dma_start3A_192 : memref<104xi32, #tpu.memory_space<vmem>>) semaphore(%arg14 : memref<!tpu.dma_semaphore, #tpu.memory_space<semaphore_mem>>)
          %dma_wait3A = arith.constant 0 : i32
          %dma_wait3A_200 = arith.constant 0 : i32
          %dma_wait3A_201 = arith.constant 0 : i32
          %dma_wait3A_202 = tpu.memref_slice %arg9[%dma_wait3A_200, %dma_wait3A_201] : memref<1000x8xf32, #tpu.memory_space<vmem>> -> memref<128x8xf32, #tpu.memory_space<vmem>>
          %dma_wait3A_203 = arith.constant 0 : i32
          %dma_wait3A_204 = tpu.memref_slice %arg7[%dma_wait3A, %dma_wait3A_203] : memref<8x128xi32, #tpu.memory_space<vmem>> -> memref<1x128xi32, #tpu.memory_space<vmem>>
          %dma_wait3A_205 = tpu.memref_squeeze %dma_wait3A_204 : memref<1x128xi32, #tpu.memory_space<vmem>> -> memref<128xi32, #tpu.memory_space<vmem>>
          %dma_wait3A_206 = arith.constant 0 : i32
          %dma_wait3A_207 = arith.constant 0 : i32
          %dma_wait3A_208 = tpu.memref_slice %arg5[%cond3A_61, %dma_wait3A_206, %dma_wait3A_207] : memref<2x524288x8xf32, #tpu.memory_space<hbm>> -> memref<1x524288x8xf32, #tpu.memory_space<hbm>>
          %dma_wait3A_209 = tpu.memref_squeeze %dma_wait3A_208 : memref<1x524288x8xf32, #tpu.memory_space<hbm>> -> memref<524288x8xf32, #tpu.memory_space<hbm>>
          %dma_wait3A_210 = arith.constant 0 : i32
          %dma_wait3A_211 = arith.constant 0 : i32
          %dma_wait3A_212 = tpu.memref_slice %dma_wait3A_209[%dma_wait3A_210, %dma_wait3A_211] : memref<524288x8xf32, #tpu.memory_space<hbm>> -> memref<524288x8xf32, #tpu.memory_space<hbm>>
          tpu.wait_indirect_dma semaphore(%arg14 : memref<!tpu.dma_semaphore, #tpu.memory_space<semaphore_mem>>) src(%dma_wait3A_212 : memref<524288x8xf32, #tpu.memory_space<hbm>>) dst(%dma_wait3A_202 : memref<128x8xf32, #tpu.memory_space<vmem>>)
          %dma_wait3A_213 = arith.constant 1 : i32
          %dma_wait3A_214 = arith.constant 128 : i32
          %dma_wait3A_215 = arith.constant 0 : i32
          %dma_wait3A_216 = tpu.memref_slice %arg9[%dma_wait3A_214, %dma_wait3A_215] : memref<1000x8xf32, #tpu.memory_space<vmem>> -> memref<128x8xf32, #tpu.memory_space<vmem>>
          %dma_wait3A_217 = arith.constant 0 : i32
          %dma_wait3A_218 = tpu.memref_slice %arg7[%dma_wait3A_213, %dma_wait3A_217] : memref<8x128xi32, #tpu.memory_space<vmem>> -> memref<1x128xi32, #tpu.memory_space<vmem>>
          %dma_wait3A_219 = tpu.memref_squeeze %dma_wait3A_218 : memref<1x128xi32, #tpu.memory_space<vmem>> -> memref<128xi32, #tpu.memory_space<vmem>>
          %dma_wait3A_220 = arith.constant 0 : i32
          %dma_wait3A_221 = arith.constant 0 : i32
          %dma_wait3A_222 = tpu.memref_slice %arg5[%cond3A_61, %dma_wait3A_220, %dma_wait3A_221] : memref<2x524288x8xf32, #tpu.memory_space<hbm>> -> memref<1x524288x8xf32, #tpu.memory_space<hbm>>
          %dma_wait3A_223 = tpu.memref_squeeze %dma_wait3A_222 : memref<1x524288x8xf32, #tpu.memory_space<hbm>> -> memref<524288x8xf32, #tpu.memory_space<hbm>>
          %dma_wait3A_224 = arith.constant 0 : i32
          %dma_wait3A_225 = arith.constant 0 : i32
          %dma_wait3A_226 = tpu.memref_slice %dma_wait3A_223[%dma_wait3A_224, %dma_wait3A_225] : memref<524288x8xf32, #tpu.memory_space<hbm>> -> memref<524288x8xf32, #tpu.memory_space<hbm>>
          tpu.wait_indirect_dma semaphore(%arg14 : memref<!tpu.dma_semaphore, #tpu.memory_space<semaphore_mem>>) src(%dma_wait3A_226 : memref<524288x8xf32, #tpu.memory_space<hbm>>) dst(%dma_wait3A_216 : memref<128x8xf32, #tpu.memory_space<vmem>>)
          %dma_wait3A_227 = arith.constant 2 : i32
          %dma_wait3A_228 = arith.constant 256 : i32
          %dma_wait3A_229 = arith.constant 0 : i32
          %dma_wait3A_230 = tpu.memref_slice %arg9[%dma_wait3A_228, %dma_wait3A_229] : memref<1000x8xf32, #tpu.memory_space<vmem>> -> memref<128x8xf32, #tpu.memory_space<vmem>>
          %dma_wait3A_231 = arith.constant 0 : i32
          %dma_wait3A_232 = tpu.memref_slice %arg7[%dma_wait3A_227, %dma_wait3A_231] : memref<8x128xi32, #tpu.memory_space<vmem>> -> memref<1x128xi32, #tpu.memory_space<vmem>>
          %dma_wait3A_233 = tpu.memref_squeeze %dma_wait3A_232 : memref<1x128xi32, #tpu.memory_space<vmem>> -> memref<128xi32, #tpu.memory_space<vmem>>
          %dma_wait3A_234 = arith.constant 0 : i32
          %dma_wait3A_235 = arith.constant 0 : i32
          %dma_wait3A_236 = tpu.memref_slice %arg5[%cond3A_61, %dma_wait3A_234, %dma_wait3A_235] : memref<2x524288x8xf32, #tpu.memory_space<hbm>> -> memref<1x524288x8xf32, #tpu.memory_space<hbm>>
          %dma_wait3A_237 = tpu.memref_squeeze %dma_wait3A_236 : memref<1x524288x8xf32, #tpu.memory_space<hbm>> -> memref<524288x8xf32, #tpu.memory_space<hbm>>
          %dma_wait3A_238 = arith.constant 0 : i32
          %dma_wait3A_239 = arith.constant 0 : i32
          %dma_wait3A_240 = tpu.memref_slice %dma_wait3A_237[%dma_wait3A_238, %dma_wait3A_239] : memref<524288x8xf32, #tpu.memory_space<hbm>> -> memref<524288x8xf32, #tpu.memory_space<hbm>>
          tpu.wait_indirect_dma semaphore(%arg14 : memref<!tpu.dma_semaphore, #tpu.memory_space<semaphore_mem>>) src(%dma_wait3A_240 : memref<524288x8xf32, #tpu.memory_space<hbm>>) dst(%dma_wait3A_230 : memref<128x8xf32, #tpu.memory_space<vmem>>)
          %dma_wait3A_241 = arith.constant 3 : i32
          %dma_wait3A_242 = arith.constant 384 : i32
          %dma_wait3A_243 = arith.constant 0 : i32
          %dma_wait3A_244 = tpu.memref_slice %arg9[%dma_wait3A_242, %dma_wait3A_243] : memref<1000x8xf32, #tpu.memory_space<vmem>> -> memref<128x8xf32, #tpu.memory_space<vmem>>
          %dma_wait3A_245 = arith.constant 0 : i32
          %dma_wait3A_246 = tpu.memref_slice %arg7[%dma_wait3A_241, %dma_wait3A_245] : memref<8x128xi32, #tpu.memory_space<vmem>> -> memref<1x128xi32, #tpu.memory_space<vmem>>
          %dma_wait3A_247 = tpu.memref_squeeze %dma_wait3A_246 : memref<1x128xi32, #tpu.memory_space<vmem>> -> memref<128xi32, #tpu.memory_space<vmem>>
          %dma_wait3A_248 = arith.constant 0 : i32
          %dma_wait3A_249 = arith.constant 0 : i32
          %dma_wait3A_250 = tpu.memref_slice %arg5[%cond3A_61, %dma_wait3A_248, %dma_wait3A_249] : memref<2x524288x8xf32, #tpu.memory_space<hbm>> -> memref<1x524288x8xf32, #tpu.memory_space<hbm>>
          %dma_wait3A_251 = tpu.memref_squeeze %dma_wait3A_250 : memref<1x524288x8xf32, #tpu.memory_space<hbm>> -> memref<524288x8xf32, #tpu.memory_space<hbm>>
          %dma_wait3A_252 = arith.constant 0 : i32
          %dma_wait3A_253 = arith.constant 0 : i32
          %dma_wait3A_254 = tpu.memref_slice %dma_wait3A_251[%dma_wait3A_252, %dma_wait3A_253] : memref<524288x8xf32, #tpu.memory_space<hbm>> -> memref<524288x8xf32, #tpu.memory_space<hbm>>
          tpu.wait_indirect_dma semaphore(%arg14 : memref<!tpu.dma_semaphore, #tpu.memory_space<semaphore_mem>>) src(%dma_wait3A_254 : memref<524288x8xf32, #tpu.memory_space<hbm>>) dst(%dma_wait3A_244 : memref<128x8xf32, #tpu.memory_space<vmem>>)
          %dma_wait3A_255 = arith.constant 4 : i32
          %dma_wait3A_256 = arith.constant 512 : i32
          %dma_wait3A_257 = arith.constant 0 : i32
          %dma_wait3A_258 = tpu.memref_slice %arg9[%dma_wait3A_256, %dma_wait3A_257] : memref<1000x8xf32, #tpu.memory_space<vmem>> -> memref<128x8xf32, #tpu.memory_space<vmem>>
          %dma_wait3A_259 = arith.constant 0 : i32
          %dma_wait3A_260 = tpu.memref_slice %arg7[%dma_wait3A_255, %dma_wait3A_259] : memref<8x128xi32, #tpu.memory_space<vmem>> -> memref<1x128xi32, #tpu.memory_space<vmem>>
          %dma_wait3A_261 = tpu.memref_squeeze %dma_wait3A_260 : memref<1x128xi32, #tpu.memory_space<vmem>> -> memref<128xi32, #tpu.memory_space<vmem>>
          %dma_wait3A_262 = arith.constant 0 : i32
          %dma_wait3A_263 = arith.constant 0 : i32
          %dma_wait3A_264 = tpu.memref_slice %arg5[%cond3A_61, %dma_wait3A_262, %dma_wait3A_263] : memref<2x524288x8xf32, #tpu.memory_space<hbm>> -> memref<1x524288x8xf32, #tpu.memory_space<hbm>>
          %dma_wait3A_265 = tpu.memref_squeeze %dma_wait3A_264 : memref<1x524288x8xf32, #tpu.memory_space<hbm>> -> memref<524288x8xf32, #tpu.memory_space<hbm>>
          %dma_wait3A_266 = arith.constant 0 : i32
          %dma_wait3A_267 = arith.constant 0 : i32
          %dma_wait3A_268 = tpu.memref_slice %dma_wait3A_265[%dma_wait3A_266, %dma_wait3A_267] : memref<524288x8xf32, #tpu.memory_space<hbm>> -> memref<524288x8xf32, #tpu.memory_space<hbm>>
          tpu.wait_indirect_dma semaphore(%arg14 : memref<!tpu.dma_semaphore, #tpu.memory_space<semaphore_mem>>) src(%dma_wait3A_268 : memref<524288x8xf32, #tpu.memory_space<hbm>>) dst(%dma_wait3A_258 : memref<128x8xf32, #tpu.memory_space<vmem>>)
          %dma_wait3A_269 = arith.constant 5 : i32
          %dma_wait3A_270 = arith.constant 640 : i32
          %dma_wait3A_271 = arith.constant 0 : i32
          %dma_wait3A_272 = tpu.memref_slice %arg9[%dma_wait3A_270, %dma_wait3A_271] : memref<1000x8xf32, #tpu.memory_space<vmem>> -> memref<128x8xf32, #tpu.memory_space<vmem>>
          %dma_wait3A_273 = arith.constant 0 : i32
          %dma_wait3A_274 = tpu.memref_slice %arg7[%dma_wait3A_269, %dma_wait3A_273] : memref<8x128xi32, #tpu.memory_space<vmem>> -> memref<1x128xi32, #tpu.memory_space<vmem>>
          %dma_wait3A_275 = tpu.memref_squeeze %dma_wait3A_274 : memref<1x128xi32, #tpu.memory_space<vmem>> -> memref<128xi32, #tpu.memory_space<vmem>>
          %dma_wait3A_276 = arith.constant 0 : i32
          %dma_wait3A_277 = arith.constant 0 : i32
          %dma_wait3A_278 = tpu.memref_slice %arg5[%cond3A_61, %dma_wait3A_276, %dma_wait3A_277] : memref<2x524288x8xf32, #tpu.memory_space<hbm>> -> memref<1x524288x8xf32, #tpu.memory_space<hbm>>
          %dma_wait3A_279 = tpu.memref_squeeze %dma_wait3A_278 : memref<1x524288x8xf32, #tpu.memory_space<hbm>> -> memref<524288x8xf32, #tpu.memory_space<hbm>>
          %dma_wait3A_280 = arith.constant 0 : i32
          %dma_wait3A_281 = arith.constant 0 : i32
          %dma_wait3A_282 = tpu.memref_slice %dma_wait3A_279[%dma_wait3A_280, %dma_wait3A_281] : memref<524288x8xf32, #tpu.memory_space<hbm>> -> memref<524288x8xf32, #tpu.memory_space<hbm>>
          tpu.wait_indirect_dma semaphore(%arg14 : memref<!tpu.dma_semaphore, #tpu.memory_space<semaphore_mem>>) src(%dma_wait3A_282 : memref<524288x8xf32, #tpu.memory_space<hbm>>) dst(%dma_wait3A_272 : memref<128x8xf32, #tpu.memory_space<vmem>>)
          %dma_wait3A_283 = arith.constant 6 : i32
          %dma_wait3A_284 = arith.constant 768 : i32
          %dma_wait3A_285 = arith.constant 0 : i32
          %dma_wait3A_286 = tpu.memref_slice %arg9[%dma_wait3A_284, %dma_wait3A_285] : memref<1000x8xf32, #tpu.memory_space<vmem>> -> memref<128x8xf32, #tpu.memory_space<vmem>>
          %dma_wait3A_287 = arith.constant 0 : i32
          %dma_wait3A_288 = tpu.memref_slice %arg7[%dma_wait3A_283, %dma_wait3A_287] : memref<8x128xi32, #tpu.memory_space<vmem>> -> memref<1x128xi32, #tpu.memory_space<vmem>>
          %dma_wait3A_289 = tpu.memref_squeeze %dma_wait3A_288 : memref<1x128xi32, #tpu.memory_space<vmem>> -> memref<128xi32, #tpu.memory_space<vmem>>
          %dma_wait3A_290 = arith.constant 0 : i32
          %dma_wait3A_291 = arith.constant 0 : i32
          %dma_wait3A_292 = tpu.memref_slice %arg5[%cond3A_61, %dma_wait3A_290, %dma_wait3A_291] : memref<2x524288x8xf32, #tpu.memory_space<hbm>> -> memref<1x524288x8xf32, #tpu.memory_space<hbm>>
          %dma_wait3A_293 = tpu.memref_squeeze %dma_wait3A_292 : memref<1x524288x8xf32, #tpu.memory_space<hbm>> -> memref<524288x8xf32, #tpu.memory_space<hbm>>
          %dma_wait3A_294 = arith.constant 0 : i32
          %dma_wait3A_295 = arith.constant 0 : i32
          %dma_wait3A_296 = tpu.memref_slice %dma_wait3A_293[%dma_wait3A_294, %dma_wait3A_295] : memref<524288x8xf32, #tpu.memory_space<hbm>> -> memref<524288x8xf32, #tpu.memory_space<hbm>>
          tpu.wait_indirect_dma semaphore(%arg14 : memref<!tpu.dma_semaphore, #tpu.memory_space<semaphore_mem>>) src(%dma_wait3A_296 : memref<524288x8xf32, #tpu.memory_space<hbm>>) dst(%dma_wait3A_286 : memref<128x8xf32, #tpu.memory_space<vmem>>)
          %dma_wait3A_297 = arith.constant 7 : i32
          %dma_wait3A_298 = arith.constant 896 : i32
          %dma_wait3A_299 = arith.constant 0 : i32
          %dma_wait3A_300 = tpu.memref_slice %arg9[%dma_wait3A_298, %dma_wait3A_299] : memref<1000x8xf32, #tpu.memory_space<vmem>> -> memref<104x8xf32, #tpu.memory_space<vmem>>
          %dma_wait3A_301 = arith.constant 0 : i32
          %dma_wait3A_302 = tpu.memref_slice %arg7[%dma_wait3A_297, %dma_wait3A_301] : memref<8x128xi32, #tpu.memory_space<vmem>> -> memref<1x104xi32, #tpu.memory_space<vmem>>
          %dma_wait3A_303 = tpu.memref_squeeze %dma_wait3A_302 : memref<1x104xi32, #tpu.memory_space<vmem>> -> memref<104xi32, #tpu.memory_space<vmem>>
          %dma_wait3A_304 = arith.constant 0 : i32
          %dma_wait3A_305 = arith.constant 0 : i32
          %dma_wait3A_306 = tpu.memref_slice %arg5[%cond3A_61, %dma_wait3A_304, %dma_wait3A_305] : memref<2x524288x8xf32, #tpu.memory_space<hbm>> -> memref<1x524288x8xf32, #tpu.memory_space<hbm>>
          %dma_wait3A_307 = tpu.memref_squeeze %dma_wait3A_306 : memref<1x524288x8xf32, #tpu.memory_space<hbm>> -> memref<524288x8xf32, #tpu.memory_space<hbm>>
          %dma_wait3A_308 = arith.constant 0 : i32
          %dma_wait3A_309 = arith.constant 0 : i32
          %dma_wait3A_310 = tpu.memref_slice %dma_wait3A_307[%dma_wait3A_308, %dma_wait3A_309] : memref<524288x8xf32, #tpu.memory_space<hbm>> -> memref<524288x8xf32, #tpu.memory_space<hbm>>
          tpu.wait_indirect_dma semaphore(%arg14 : memref<!tpu.dma_semaphore, #tpu.memory_space<semaphore_mem>>) src(%dma_wait3A_310 : memref<524288x8xf32, #tpu.memory_space<hbm>>) dst(%dma_wait3A_300 : memref<104x8xf32, #tpu.memory_space<vmem>>)
          %scan3A_311 = arith.constant 0 : i32
          %scan3A_312 = arith.constant 63 : i32
          %scan3A_313 = arith.addi %scan3A_311, %scan3A_312 : i32
          %scan3A_314 = arith.constant 1 : i32
          scf.for %scan3A_318 = %scan3A_311 to %scan3A_313 step %scan3A_314  : i32 {
            %mul3A_319 = arith.constant 16 : i32
            %mul3A_320 = arith.muli %scan3A_318, %mul3A_319 : i32
            %get3A = arith.index_cast %mul3A_320 : i32 to index
            %get3A_321 = tpu.vector_load %arg8[%get3A] {strides = array<i32>} : memref<1008xi32, #tpu.memory_space<vmem>>, vector<16xi32>,
            %gt3A = arith.constant 0 : i32
            %gt3A_322 = vector.broadcast %gt3A : i32 to vector<16xi32>
            %gt3A_323 = arith.cmpi sgt, %get3A_321, %gt3A_322 : vector<16xi32>
            %mul3A_324 = arith.constant 16 : i32
            %mul3A_325 = arith.muli %scan3A_318, %mul3A_324 : i32
            %add3A_326 = vector.broadcast %mul3A_325 : i32 to vector<16xi32>
            %add3A_327 = arith.addi %iota3A, %add3A_326 : vector<16xi32>
            %lt3A_328 = arith.constant 1000 : i32
            %lt3A_329 = vector.broadcast %lt3A_328 : i32 to vector<16xi32>
            %lt3A_330 = arith.cmpi slt, %add3A_327, %lt3A_329 : vector<16xi32>
            %mul3A_331 = arith.constant 8 : i32
            %mul3A_332 = vector.broadcast %mul3A_331 : i32 to vector<16xi32>
            %mul3A_333 = arith.muli %add3A_327, %mul3A_332 : vector<16xi32>
            %gather3A_334 = tpu.vector_load_idx %arg9[%add3A_327, %broadcast_in_dim3A_20] masked %lt3A_330 : memref<1000x8xf32, #tpu.memory_space<vmem>>[vector<16xi32>, vector<16xi32>], vector<16xf32>, vector<16xi1>
            %select_n3A = arith.select %gt3A_323, %gather3A_334, %gather3A : vector<16xi1>, vector<16xf32>
            %add3A_335 = arith.constant 0 : i32
            %add3A_336 = vector.broadcast %add3A_335 : i32 to vector<16xi32>
            %add3A_337 = arith.addi %mul3A_333, %add3A_336 : vector<16xi32>
            tpu.vector_store_idx %arg10[%add3A_337], %select_n3A masked %lt3A_330 : memref<8064xf32, #tpu.memory_space<vmem>>[vector<16xi32>], vector<16xf32>, vector<16xi1>
            %gather3A_338 = tpu.vector_load_idx %arg9[%add3A_327, %broadcast_in_dim3A_22] masked %lt3A_330 : memref<1000x8xf32, #tpu.memory_space<vmem>>[vector<16xi32>, vector<16xi32>], vector<16xf32>, vector<16xi1>
            %select_n3A_339 = arith.select %gt3A_323, %gather3A_338, %gather3A_39 : vector<16xi1>, vector<16xf32>
            %add3A_340 = arith.constant 1 : i32
            %add3A_341 = vector.broadcast %add3A_340 : i32 to vector<16xi32>
            %add3A_342 = arith.addi %mul3A_333, %add3A_341 : vector<16xi32>
            tpu.vector_store_idx %arg10[%add3A_342], %select_n3A_339 masked %lt3A_330 : memref<8064xf32, #tpu.memory_space<vmem>>[vector<16xi32>], vector<16xf32>, vector<16xi1>
            %gather3A_343 = tpu.vector_load_idx %arg9[%add3A_327, %broadcast_in_dim3A_24] masked %lt3A_330 : memref<1000x8xf32, #tpu.memory_space<vmem>>[vector<16xi32>, vector<16xi32>], vector<16xf32>, vector<16xi1>
            %select_n3A_344 = arith.select %gt3A_323, %gather3A_343, %gather3A_42 : vector<16xi1>, vector<16xf32>
            %add3A_345 = arith.constant 2 : i32
            %add3A_346 = vector.broadcast %add3A_345 : i32 to vector<16xi32>
            %add3A_347 = arith.addi %mul3A_333, %add3A_346 : vector<16xi32>
            tpu.vector_store_idx %arg10[%add3A_347], %select_n3A_344 masked %lt3A_330 : memref<8064xf32, #tpu.memory_space<vmem>>[vector<16xi32>], vector<16xf32>, vector<16xi1>
            %gather3A_348 = tpu.vector_load_idx %arg9[%add3A_327, %broadcast_in_dim3A_26] masked %lt3A_330 : memref<1000x8xf32, #tpu.memory_space<vmem>>[vector<16xi32>, vector<16xi32>], vector<16xf32>, vector<16xi1>
            %select_n3A_349 = arith.select %gt3A_323, %gather3A_348, %gather3A_45 : vector<16xi1>, vector<16xf32>
            %add3A_350 = arith.constant 3 : i32
            %add3A_351 = vector.broadcast %add3A_350 : i32 to vector<16xi32>
            %add3A_352 = arith.addi %mul3A_333, %add3A_351 : vector<16xi32>
            tpu.vector_store_idx %arg10[%add3A_352], %select_n3A_349 masked %lt3A_330 : memref<8064xf32, #tpu.memory_space<vmem>>[vector<16xi32>], vector<16xf32>, vector<16xi1>
            %gather3A_353 = tpu.vector_load_idx %arg9[%add3A_327, %broadcast_in_dim3A_28] masked %lt3A_330 : memref<1000x8xf32, #tpu.memory_space<vmem>>[vector<16xi32>, vector<16xi32>], vector<16xf32>, vector<16xi1>
            %select_n3A_354 = arith.select %gt3A_323, %gather3A_353, %gather3A_48 : vector<16xi1>, vector<16xf32>
            %add3A_355 = arith.constant 4 : i32
            %add3A_356 = vector.broadcast %add3A_355 : i32 to vector<16xi32>
            %add3A_357 = arith.addi %mul3A_333, %add3A_356 : vector<16xi32>
            tpu.vector_store_idx %arg10[%add3A_357], %select_n3A_354 masked %lt3A_330 : memref<8064xf32, #tpu.memory_space<vmem>>[vector<16xi32>], vector<16xf32>, vector<16xi1>
            %gather3A_358 = tpu.vector_load_idx %arg9[%add3A_327, %broadcast_in_dim3A_30] masked %lt3A_330 : memref<1000x8xf32, #tpu.memory_space<vmem>>[vector<16xi32>, vector<16xi32>], vector<16xf32>, vector<16xi1>
            %select_n3A_359 = arith.select %gt3A_323, %gather3A_358, %gather3A_51 : vector<16xi1>, vector<16xf32>
            %add3A_360 = arith.constant 5 : i32
            %add3A_361 = vector.broadcast %add3A_360 : i32 to vector<16xi32>
            %add3A_362 = arith.addi %mul3A_333, %add3A_361 : vector<16xi32>
            tpu.vector_store_idx %arg10[%add3A_362], %select_n3A_359 masked %lt3A_330 : memref<8064xf32, #tpu.memory_space<vmem>>[vector<16xi32>], vector<16xf32>, vector<16xi1>
            %gather3A_363 = tpu.vector_load_idx %arg9[%add3A_327, %broadcast_in_dim3A_32] masked %lt3A_330 : memref<1000x8xf32, #tpu.memory_space<vmem>>[vector<16xi32>, vector<16xi32>], vector<16xf32>, vector<16xi1>
            %select_n3A_364 = arith.select %gt3A_323, %gather3A_363, %gather3A_54 : vector<16xi1>, vector<16xf32>
            %add3A_365 = arith.constant 6 : i32
            %add3A_366 = vector.broadcast %add3A_365 : i32 to vector<16xi32>
            %add3A_367 = arith.addi %mul3A_333, %add3A_366 : vector<16xi32>
            tpu.vector_store_idx %arg10[%add3A_367], %select_n3A_364 masked %lt3A_330 : memref<8064xf32, #tpu.memory_space<vmem>>[vector<16xi32>], vector<16xf32>, vector<16xi1>
            %gather3A_368 = tpu.vector_load_idx %arg9[%add3A_327, %broadcast_in_dim3A_34] masked %lt3A_330 : memref<1000x8xf32, #tpu.memory_space<vmem>>[vector<16xi32>, vector<16xi32>], vector<16xf32>, vector<16xi1>
            %select_n3A_369 = arith.select %gt3A_323, %gather3A_368, %gather3A_57 : vector<16xi1>, vector<16xf32>
            %add3A_370 = arith.constant 7 : i32
            %add3A_371 = vector.broadcast %add3A_370 : i32 to vector<16xi32>
            %add3A_372 = arith.addi %mul3A_333, %add3A_371 : vector<16xi32>
            tpu.vector_store_idx %arg10[%add3A_372], %select_n3A_369 masked %lt3A_330 : memref<8064xf32, #tpu.memory_space<vmem>>[vector<16xi32>], vector<16xf32>, vector<16xi1>
          }
          %scan3A_315 = arith.constant 63 : i32
          %mul3A_316 = arith.constant 8 : i32
          %mul3A_317 = arith.muli %mul3A_83, %mul3A_316 : i32
          "tpu.region"() ({
            %run_scoped3A = tpu.sem_alloc : memref<!tpu.dma_semaphore, #tpu.memory_space<semaphore_mem>>
            %dma_start3A_318 = arith.constant 0 : i32
            %dma_start3A_319 = tpu.memref_slice %arg10[%dma_start3A_318] : memref<8064xf32, #tpu.memory_space<vmem>> -> memref<8000xf32, #tpu.memory_space<vmem>>
            %dma_start3A_320 = tpu.memref_slice %arg4[%mul3A_317] : memref<8000000xf32, #tpu.memory_space<hbm>> -> memref<8000xf32, #tpu.memory_space<hbm>>
            %dma_start3A_321 = tpu.memref_slice %arg4[%mul3A_317] : memref<8000000xf32, #tpu.memory_space<hbm>> -> memref<8000xf32, #tpu.memory_space<hbm>>
            %dma_start3A_322 = arith.constant 0 : i32
            %dma_start3A_323 = tpu.memref_slice %arg10[%dma_start3A_322] : memref<8064xf32, #tpu.memory_space<vmem>> -> memref<8000xf32, #tpu.memory_space<vmem>>
            tpu.enqueue_dma source(%dma_start3A_323 : memref<8000xf32, #tpu.memory_space<vmem>>) target(%dma_start3A_321 : memref<8000xf32, #tpu.memory_space<hbm>>) target_semaphore(%run_scoped3A : memref<!tpu.dma_semaphore, #tpu.memory_space<semaphore_mem>>)
            %dma_wait3A_324 = arith.constant 0 : i32
            %dma_wait3A_325 = tpu.memref_slice %arg10[%dma_wait3A_324] : memref<8064xf32, #tpu.memory_space<vmem>> -> memref<8000xf32, #tpu.memory_space<vmem>>
            %dma_wait3A_326 = tpu.memref_slice %arg4[%mul3A_317] : memref<8000000xf32, #tpu.memory_space<hbm>> -> memref<8000xf32, #tpu.memory_space<hbm>>
            %dma_wait3A_327 = tpu.memref_slice %arg4[%mul3A_317] : memref<8000000xf32, #tpu.memory_space<hbm>> -> memref<8000xf32, #tpu.memory_space<hbm>>
            %dma_wait3A_328 = arith.constant 0 : i32
            %dma_wait3A_329 = tpu.memref_slice %arg10[%dma_wait3A_328] : memref<8064xf32, #tpu.memory_space<vmem>> -> memref<8000xf32, #tpu.memory_space<vmem>>
            tpu.wait_dma2 semaphore(%run_scoped3A : memref<!tpu.dma_semaphore, #tpu.memory_space<semaphore_mem>>) src(%dma_wait3A_329 : memref<8000xf32, #tpu.memory_space<vmem>>) dst(%dma_wait3A_327 : memref<8000xf32, #tpu.memory_space<hbm>>)
            tpu.yield
          }) : () -> ()
        } else {
        }
      }
      %scan3A_73 = arith.constant 32 : i32
    } else {
    }
    %eq3A_64 = arith.constant 1 : i32
    %eq3A_65 = arith.cmpi eq, %arg0, %eq3A_64 : i32
    %convert_element_type3A_66 = arith.extui %eq3A_65 : i1 to i32
    %cond3A_67 = arith.constant 1 : i32
    %cond3A_68 = arith.constant 0 : i32
    %cond3A_69 = arith.cmpi ne, %convert_element_type3A_66, %cond3A_68 : i32
    scf.if %cond3A_69 {
      %scan3A = arith.constant 0 : i32
      %scan3A_70 = arith.constant 32 : i32
      %scan3A_71 = arith.addi %scan3A, %scan3A_70 : i32
      %scan3A_72 = arith.constant 1 : i32
      scf.for %scan3A_74 = %scan3A to %scan3A_71 step %scan3A_72  : i32 {
        %mul3A_75 = arith.constant 32 : i32
        %mul3A_76 = arith.muli %scan3A_74, %mul3A_75 : i32
        %add3A_77 = arith.addi %mul3A_76, %add3A : i32
        %lt3A = arith.constant 1000 : i32
        %lt3A_78 = arith.cmpi slt, %add3A_77, %lt3A : i32
        %convert_element_type3A_79 = arith.extui %lt3A_78 : i1 to i32
        %cond3A_80 = arith.constant 0 : i32
        %cond3A_81 = arith.cmpi ne, %convert_element_type3A_79, %cond3A_80 : i32
        scf.if %cond3A_81 {
          %mul3A_82 = arith.constant 1000 : i32
          %mul3A_83 = arith.muli %add3A_77, %mul3A_82 : i32
          "tpu.region"() ({
            %run_scoped3A = tpu.sem_alloc : memref<!tpu.dma_semaphore, #tpu.memory_space<semaphore_mem>>
            %dma_start3A_318 = arith.constant 0 : i32
            %dma_start3A_319 = tpu.memref_slice %arg6[%dma_start3A_318] : memref<1016xi32, #tpu.memory_space<vmem>> -> memref<1000xi32, #tpu.memory_space<vmem>>
            %dma_start3A_320 = tpu.memref_slice %arg2[%mul3A_83] : memref<1000000xi32, #tpu.memory_space<hbm>> -> memref<1000xi32, #tpu.memory_space<hbm>>
            %dma_start3A_321 = arith.constant 0 : i32
            %dma_start3A_322 = tpu.memref_slice %arg6[%dma_start3A_321] : memref<1016xi32, #tpu.memory_space<vmem>> -> memref<1000xi32, #tpu.memory_space<vmem>>
            %dma_start3A_323 = tpu.memref_slice %arg2[%mul3A_83] : memref<1000000xi32, #tpu.memory_space<hbm>> -> memref<1000xi32, #tpu.memory_space<hbm>>
            tpu.enqueue_dma source(%dma_start3A_323 : memref<1000xi32, #tpu.memory_space<hbm>>) target(%dma_start3A_322 : memref<1000xi32, #tpu.memory_space<vmem>>) target_semaphore(%run_scoped3A : memref<!tpu.dma_semaphore, #tpu.memory_space<semaphore_mem>>)
            %dma_wait3A_324 = arith.constant 0 : i32
            %dma_wait3A_325 = tpu.memref_slice %arg6[%dma_wait3A_324] : memref<1016xi32, #tpu.memory_space<vmem>> -> memref<1000xi32, #tpu.memory_space<vmem>>
            %dma_wait3A_326 = tpu.memref_slice %arg2[%mul3A_83] : memref<1000000xi32, #tpu.memory_space<hbm>> -> memref<1000xi32, #tpu.memory_space<hbm>>
            %dma_wait3A_327 = arith.constant 0 : i32
            %dma_wait3A_328 = tpu.memref_slice %arg6[%dma_wait3A_327] : memref<1016xi32, #tpu.memory_space<vmem>> -> memref<1000xi32, #tpu.memory_space<vmem>>
            %dma_wait3A_329 = tpu.memref_slice %arg2[%mul3A_83] : memref<1000000xi32, #tpu.memory_space<hbm>> -> memref<1000xi32, #tpu.memory_space<hbm>>
            tpu.wait_dma2 semaphore(%run_scoped3A : memref<!tpu.dma_semaphore, #tpu.memory_space<semaphore_mem>>) src(%dma_wait3A_329 : memref<1000xi32, #tpu.memory_space<hbm>>) dst(%dma_wait3A_328 : memref<1000xi32, #tpu.memory_space<vmem>>)
            tpu.yield
          }) : () -> ()
          %scan3A_84 = arith.constant 0 : i32
          %scan3A_85 = arith.constant 63 : i32
          %scan3A_86 = arith.addi %scan3A_84, %scan3A_85 : i32
          %scan3A_87 = arith.constant 1 : i32
          scf.for %scan3A_318 = %scan3A_84 to %scan3A_86 step %scan3A_87  : i32 {
            %mul3A_319 = arith.constant 16 : i32
            %mul3A_320 = arith.muli %scan3A_318, %mul3A_319 : i32
            %get3A = arith.index_cast %mul3A_320 : i32 to index
            %get3A_321 = tpu.vector_load %arg6[%get3A] {strides = array<i32>} : memref<1016xi32, #tpu.memory_space<vmem>>, vector<16xi32>,
            %lt3A_322 = arith.constant 524287 : i32
            %lt3A_323 = vector.broadcast %lt3A_322 : i32 to vector<16xi32>
            %lt3A_324 = arith.cmpi slt, %get3A_321, %lt3A_323 : vector<16xi32>
            %mul3A_325 = arith.constant 16 : i32
            %mul3A_326 = arith.muli %scan3A_318, %mul3A_325 : i32
            %add3A_327 = vector.broadcast %mul3A_326 : i32 to vector<16xi32>
            %add3A_328 = arith.addi %iota3A, %add3A_327 : vector<16xi32>
            %add3A_329 = vector.broadcast %mul3A_83 : i32 to vector<16xi32>
            %add3A_330 = arith.addi %add3A_329, %add3A_328 : vector<16xi32>
            %and3A_331 = arith.constant 524287 : i32
            %and3A_332 = vector.broadcast %and3A_331 : i32 to vector<16xi32>
            %and3A_333 = arith.andi %add3A_330, %and3A_332 : vector<16xi32>
            %select_n3A = arith.select %lt3A_324, %get3A_321, %and3A_333 : vector<16xi1>, vector<16xi32>
            %jit3A = arith.constant 8 : i32
            %div3A = arith.divsi %scan3A_318, %jit3A : i32
            %sign3A = arith.constant 0 : i32
            %sign3A_334 = arith.cmpi sgt, %scan3A_318, %sign3A : i32
            %sign3A_335 = arith.extui %sign3A_334 : i1 to i32
            %sign3A_336 = arith.constant 0 : i32
            %sign3A_337 = arith.cmpi slt, %scan3A_318, %sign3A_336 : i32
            %sign3A_338 = arith.extui %sign3A_337 : i1 to i32
            %sign3A_339 = arith.subi %sign3A_335, %sign3A_338 : i32
            %sign3A_340 = arith.constant 0 : i32
            %sign3A_341 = arith.cmpi sgt, %jit3A, %sign3A_340 : i32
            %sign3A_342 = arith.extui %sign3A_341 : i1 to i32
            %sign3A_343 = arith.constant 0 : i32
            %sign3A_344 = arith.cmpi slt, %jit3A, %sign3A_343 : i32
            %sign3A_345 = arith.extui %sign3A_344 : i1 to i32
            %sign3A_346 = arith.subi %sign3A_342, %sign3A_345 : i32
            %ne3A = arith.cmpi ne, %sign3A_339, %sign3A_346 : i32
            %rem3A = arith.remsi %scan3A_318, %jit3A : i32
            %ne3A_347 = arith.constant 0 : i32
            %ne3A_348 = arith.cmpi ne, %rem3A, %ne3A_347 : i32
            %and3A_349 = arith.andi %ne3A, %ne3A_348 : i1
            %sub3A = arith.constant 1 : i32
            %sub3A_350 = arith.subi %div3A, %sub3A : i32
            %select_n3A_351 = arith.select %and3A_349, %sub3A_350, %div3A : i32
            %jit3A_352 = arith.constant 8 : i32
            %eq3A_353 = arith.constant 0 : i32
            %eq3A_354 = arith.cmpi eq, %jit3A_352, %eq3A_353 : i32
            %jit3A_355 = arith.constant 1 : i32
            %select_n3A_356 = arith.select %eq3A_354, %jit3A_355, %jit3A_352 : i32
            %rem3A_357 = arith.remsi %scan3A_318, %select_n3A_356 : i32
            %ne3A_358 = arith.constant 0 : i32
            %ne3A_359 = arith.cmpi ne, %rem3A_357, %ne3A_358 : i32
            %lt3A_360 = arith.constant 0 : i32
            %lt3A_361 = arith.cmpi slt, %rem3A_357, %lt3A_360 : i32
            %lt3A_362 = arith.constant 0 : i32
            %lt3A_363 = arith.cmpi slt, %select_n3A_356, %lt3A_362 : i32
            %ne3A_364 = arith.xori %lt3A_361, %lt3A_363 : i1
            %and3A_365 = arith.andi %ne3A_364, %ne3A_359 : i1
            %add3A_366 = arith.addi %rem3A_357, %select_n3A_356 : i32
            %select_n3A_367 = arith.select %and3A_365, %add3A_366, %rem3A_357 : i32
            %mul3A_368 = arith.constant 16 : i32
            %mul3A_369 = arith.muli %select_n3A_367, %mul3A_368 : i32
            %swap3A_370 = arith.index_cast %select_n3A_351 : i32 to index
            %swap3A_371 = arith.index_cast %mul3A_369 : i32 to index
            %swap3A_372 = tpu.vector_load %arg7[%swap3A_370, %swap3A_371] {strides = array<i32>} : memref<8x128xi32, #tpu.memory_space<vmem>>, vector<16xi32>,
            tpu.vector_store %arg7[%swap3A_370, %swap3A_371], %select_n3A {strides = array<i32>} : memref<8x128xi32, #tpu.memory_space<vmem>>, vector<16xi32>,
            %convert_element_type3A_373 = arith.extui %lt3A_324 : vector<16xi1> to vector<16xi32>
            %mul3A_374 = arith.constant 16 : i32
            %mul3A_375 = arith.muli %scan3A_318, %mul3A_374 : i32
            %swap3A_376 = arith.index_cast %mul3A_375 : i32 to index
            %swap3A_377 = tpu.vector_load %arg8[%swap3A_376] {strides = array<i32>} : memref<1008xi32, #tpu.memory_space<vmem>>, vector<16xi32>,
            tpu.vector_store %arg8[%swap3A_376], %convert_element_type3A_373 {strides = array<i32>} : memref<1008xi32, #tpu.memory_space<vmem>>, vector<16xi32>,
          }
          %scan3A_88 = arith.constant 63 : i32
          %dma_start3A = arith.constant 0 : i32
          %dma_start3A_89 = arith.constant 0 : i32
          %dma_start3A_90 = arith.constant 0 : i32
          %dma_start3A_91 = tpu.memref_slice %arg9[%dma_start3A_89, %dma_start3A_90] : memref<1000x8xf32, #tpu.memory_space<vmem>> -> memref<128x8xf32, #tpu.memory_space<vmem>>
          %dma_start3A_92 = arith.constant 0 : i32
          %dma_start3A_93 = tpu.memref_slice %arg7[%dma_start3A, %dma_start3A_92] : memref<8x128xi32, #tpu.memory_space<vmem>> -> memref<1x128xi32, #tpu.memory_space<vmem>>
          %dma_start3A_94 = tpu.memref_squeeze %dma_start3A_93 : memref<1x128xi32, #tpu.memory_space<vmem>> -> memref<128xi32, #tpu.memory_space<vmem>>
          %dma_start3A_95 = arith.constant 0 : i32
          %dma_start3A_96 = arith.constant 0 : i32
          %dma_start3A_97 = tpu.memref_slice %arg5[%cond3A_67, %dma_start3A_95, %dma_start3A_96] : memref<2x524288x8xf32, #tpu.memory_space<hbm>> -> memref<1x524288x8xf32, #tpu.memory_space<hbm>>
          %dma_start3A_98 = tpu.memref_squeeze %dma_start3A_97 : memref<1x524288x8xf32, #tpu.memory_space<hbm>> -> memref<524288x8xf32, #tpu.memory_space<hbm>>
          %dma_start3A_99 = arith.constant 0 : i32
          %dma_start3A_100 = arith.constant 0 : i32
          %dma_start3A_101 = tpu.memref_slice %dma_start3A_98[%dma_start3A_99, %dma_start3A_100] : memref<524288x8xf32, #tpu.memory_space<hbm>> -> memref<524288x8xf32, #tpu.memory_space<hbm>>
          tpu.enqueue_indirect_dma source(%dma_start3A_101 : memref<524288x8xf32, #tpu.memory_space<hbm>>) target(%dma_start3A_91 : memref<128x8xf32, #tpu.memory_space<vmem>>) offsets(%dma_start3A_94 : memref<128xi32, #tpu.memory_space<vmem>>) semaphore(%arg14 : memref<!tpu.dma_semaphore, #tpu.memory_space<semaphore_mem>>)
          %dma_start3A_102 = arith.constant 1 : i32
          %dma_start3A_103 = arith.constant 128 : i32
          %dma_start3A_104 = arith.constant 0 : i32
          %dma_start3A_105 = tpu.memref_slice %arg9[%dma_start3A_103, %dma_start3A_104] : memref<1000x8xf32, #tpu.memory_space<vmem>> -> memref<128x8xf32, #tpu.memory_space<vmem>>
          %dma_start3A_106 = arith.constant 0 : i32
          %dma_start3A_107 = tpu.memref_slice %arg7[%dma_start3A_102, %dma_start3A_106] : memref<8x128xi32, #tpu.memory_space<vmem>> -> memref<1x128xi32, #tpu.memory_space<vmem>>
          %dma_start3A_108 = tpu.memref_squeeze %dma_start3A_107 : memref<1x128xi32, #tpu.memory_space<vmem>> -> memref<128xi32, #tpu.memory_space<vmem>>
          %dma_start3A_109 = arith.constant 0 : i32
          %dma_start3A_110 = arith.constant 0 : i32
          %dma_start3A_111 = tpu.memref_slice %arg5[%cond3A_67, %dma_start3A_109, %dma_start3A_110] : memref<2x524288x8xf32, #tpu.memory_space<hbm>> -> memref<1x524288x8xf32, #tpu.memory_space<hbm>>
          %dma_start3A_112 = tpu.memref_squeeze %dma_start3A_111 : memref<1x524288x8xf32, #tpu.memory_space<hbm>> -> memref<524288x8xf32, #tpu.memory_space<hbm>>
          %dma_start3A_113 = arith.constant 0 : i32
          %dma_start3A_114 = arith.constant 0 : i32
          %dma_start3A_115 = tpu.memref_slice %dma_start3A_112[%dma_start3A_113, %dma_start3A_114] : memref<524288x8xf32, #tpu.memory_space<hbm>> -> memref<524288x8xf32, #tpu.memory_space<hbm>>
          tpu.enqueue_indirect_dma source(%dma_start3A_115 : memref<524288x8xf32, #tpu.memory_space<hbm>>) target(%dma_start3A_105 : memref<128x8xf32, #tpu.memory_space<vmem>>) offsets(%dma_start3A_108 : memref<128xi32, #tpu.memory_space<vmem>>) semaphore(%arg14 : memref<!tpu.dma_semaphore, #tpu.memory_space<semaphore_mem>>)
          %dma_start3A_116 = arith.constant 2 : i32
          %dma_start3A_117 = arith.constant 256 : i32
          %dma_start3A_118 = arith.constant 0 : i32
          %dma_start3A_119 = tpu.memref_slice %arg9[%dma_start3A_117, %dma_start3A_118] : memref<1000x8xf32, #tpu.memory_space<vmem>> -> memref<128x8xf32, #tpu.memory_space<vmem>>
          %dma_start3A_120 = arith.constant 0 : i32
          %dma_start3A_121 = tpu.memref_slice %arg7[%dma_start3A_116, %dma_start3A_120] : memref<8x128xi32, #tpu.memory_space<vmem>> -> memref<1x128xi32, #tpu.memory_space<vmem>>
          %dma_start3A_122 = tpu.memref_squeeze %dma_start3A_121 : memref<1x128xi32, #tpu.memory_space<vmem>> -> memref<128xi32, #tpu.memory_space<vmem>>
          %dma_start3A_123 = arith.constant 0 : i32
          %dma_start3A_124 = arith.constant 0 : i32
          %dma_start3A_125 = tpu.memref_slice %arg5[%cond3A_67, %dma_start3A_123, %dma_start3A_124] : memref<2x524288x8xf32, #tpu.memory_space<hbm>> -> memref<1x524288x8xf32, #tpu.memory_space<hbm>>
          %dma_start3A_126 = tpu.memref_squeeze %dma_start3A_125 : memref<1x524288x8xf32, #tpu.memory_space<hbm>> -> memref<524288x8xf32, #tpu.memory_space<hbm>>
          %dma_start3A_127 = arith.constant 0 : i32
          %dma_start3A_128 = arith.constant 0 : i32
          %dma_start3A_129 = tpu.memref_slice %dma_start3A_126[%dma_start3A_127, %dma_start3A_128] : memref<524288x8xf32, #tpu.memory_space<hbm>> -> memref<524288x8xf32, #tpu.memory_space<hbm>>
          tpu.enqueue_indirect_dma source(%dma_start3A_129 : memref<524288x8xf32, #tpu.memory_space<hbm>>) target(%dma_start3A_119 : memref<128x8xf32, #tpu.memory_space<vmem>>) offsets(%dma_start3A_122 : memref<128xi32, #tpu.memory_space<vmem>>) semaphore(%arg14 : memref<!tpu.dma_semaphore, #tpu.memory_space<semaphore_mem>>)
          %dma_start3A_130 = arith.constant 3 : i32
          %dma_start3A_131 = arith.constant 384 : i32
          %dma_start3A_132 = arith.constant 0 : i32
          %dma_start3A_133 = tpu.memref_slice %arg9[%dma_start3A_131, %dma_start3A_132] : memref<1000x8xf32, #tpu.memory_space<vmem>> -> memref<128x8xf32, #tpu.memory_space<vmem>>
          %dma_start3A_134 = arith.constant 0 : i32
          %dma_start3A_135 = tpu.memref_slice %arg7[%dma_start3A_130, %dma_start3A_134] : memref<8x128xi32, #tpu.memory_space<vmem>> -> memref<1x128xi32, #tpu.memory_space<vmem>>
          %dma_start3A_136 = tpu.memref_squeeze %dma_start3A_135 : memref<1x128xi32, #tpu.memory_space<vmem>> -> memref<128xi32, #tpu.memory_space<vmem>>
          %dma_start3A_137 = arith.constant 0 : i32
          %dma_start3A_138 = arith.constant 0 : i32
          %dma_start3A_139 = tpu.memref_slice %arg5[%cond3A_67, %dma_start3A_137, %dma_start3A_138] : memref<2x524288x8xf32, #tpu.memory_space<hbm>> -> memref<1x524288x8xf32, #tpu.memory_space<hbm>>
          %dma_start3A_140 = tpu.memref_squeeze %dma_start3A_139 : memref<1x524288x8xf32, #tpu.memory_space<hbm>> -> memref<524288x8xf32, #tpu.memory_space<hbm>>
          %dma_start3A_141 = arith.constant 0 : i32
          %dma_start3A_142 = arith.constant 0 : i32
          %dma_start3A_143 = tpu.memref_slice %dma_start3A_140[%dma_start3A_141, %dma_start3A_142] : memref<524288x8xf32, #tpu.memory_space<hbm>> -> memref<524288x8xf32, #tpu.memory_space<hbm>>
          tpu.enqueue_indirect_dma source(%dma_start3A_143 : memref<524288x8xf32, #tpu.memory_space<hbm>>) target(%dma_start3A_133 : memref<128x8xf32, #tpu.memory_space<vmem>>) offsets(%dma_start3A_136 : memref<128xi32, #tpu.memory_space<vmem>>) semaphore(%arg14 : memref<!tpu.dma_semaphore, #tpu.memory_space<semaphore_mem>>)
          %dma_start3A_144 = arith.constant 4 : i32
          %dma_start3A_145 = arith.constant 512 : i32
          %dma_start3A_146 = arith.constant 0 : i32
          %dma_start3A_147 = tpu.memref_slice %arg9[%dma_start3A_145, %dma_start3A_146] : memref<1000x8xf32, #tpu.memory_space<vmem>> -> memref<128x8xf32, #tpu.memory_space<vmem>>
          %dma_start3A_148 = arith.constant 0 : i32
          %dma_start3A_149 = tpu.memref_slice %arg7[%dma_start3A_144, %dma_start3A_148] : memref<8x128xi32, #tpu.memory_space<vmem>> -> memref<1x128xi32, #tpu.memory_space<vmem>>
          %dma_start3A_150 = tpu.memref_squeeze %dma_start3A_149 : memref<1x128xi32, #tpu.memory_space<vmem>> -> memref<128xi32, #tpu.memory_space<vmem>>
          %dma_start3A_151 = arith.constant 0 : i32
          %dma_start3A_152 = arith.constant 0 : i32
          %dma_start3A_153 = tpu.memref_slice %arg5[%cond3A_67, %dma_start3A_151, %dma_start3A_152] : memref<2x524288x8xf32, #tpu.memory_space<hbm>> -> memref<1x524288x8xf32, #tpu.memory_space<hbm>>
          %dma_start3A_154 = tpu.memref_squeeze %dma_start3A_153 : memref<1x524288x8xf32, #tpu.memory_space<hbm>> -> memref<524288x8xf32, #tpu.memory_space<hbm>>
          %dma_start3A_155 = arith.constant 0 : i32
          %dma_start3A_156 = arith.constant 0 : i32
          %dma_start3A_157 = tpu.memref_slice %dma_start3A_154[%dma_start3A_155, %dma_start3A_156] : memref<524288x8xf32, #tpu.memory_space<hbm>> -> memref<524288x8xf32, #tpu.memory_space<hbm>>
          tpu.enqueue_indirect_dma source(%dma_start3A_157 : memref<524288x8xf32, #tpu.memory_space<hbm>>) target(%dma_start3A_147 : memref<128x8xf32, #tpu.memory_space<vmem>>) offsets(%dma_start3A_150 : memref<128xi32, #tpu.memory_space<vmem>>) semaphore(%arg14 : memref<!tpu.dma_semaphore, #tpu.memory_space<semaphore_mem>>)
          %dma_start3A_158 = arith.constant 5 : i32
          %dma_start3A_159 = arith.constant 640 : i32
          %dma_start3A_160 = arith.constant 0 : i32
          %dma_start3A_161 = tpu.memref_slice %arg9[%dma_start3A_159, %dma_start3A_160] : memref<1000x8xf32, #tpu.memory_space<vmem>> -> memref<128x8xf32, #tpu.memory_space<vmem>>
          %dma_start3A_162 = arith.constant 0 : i32
          %dma_start3A_163 = tpu.memref_slice %arg7[%dma_start3A_158, %dma_start3A_162] : memref<8x128xi32, #tpu.memory_space<vmem>> -> memref<1x128xi32, #tpu.memory_space<vmem>>
          %dma_start3A_164 = tpu.memref_squeeze %dma_start3A_163 : memref<1x128xi32, #tpu.memory_space<vmem>> -> memref<128xi32, #tpu.memory_space<vmem>>
          %dma_start3A_165 = arith.constant 0 : i32
          %dma_start3A_166 = arith.constant 0 : i32
          %dma_start3A_167 = tpu.memref_slice %arg5[%cond3A_67, %dma_start3A_165, %dma_start3A_166] : memref<2x524288x8xf32, #tpu.memory_space<hbm>> -> memref<1x524288x8xf32, #tpu.memory_space<hbm>>
          %dma_start3A_168 = tpu.memref_squeeze %dma_start3A_167 : memref<1x524288x8xf32, #tpu.memory_space<hbm>> -> memref<524288x8xf32, #tpu.memory_space<hbm>>
          %dma_start3A_169 = arith.constant 0 : i32
          %dma_start3A_170 = arith.constant 0 : i32
          %dma_start3A_171 = tpu.memref_slice %dma_start3A_168[%dma_start3A_169, %dma_start3A_170] : memref<524288x8xf32, #tpu.memory_space<hbm>> -> memref<524288x8xf32, #tpu.memory_space<hbm>>
          tpu.enqueue_indirect_dma source(%dma_start3A_171 : memref<524288x8xf32, #tpu.memory_space<hbm>>) target(%dma_start3A_161 : memref<128x8xf32, #tpu.memory_space<vmem>>) offsets(%dma_start3A_164 : memref<128xi32, #tpu.memory_space<vmem>>) semaphore(%arg14 : memref<!tpu.dma_semaphore, #tpu.memory_space<semaphore_mem>>)
          %dma_start3A_172 = arith.constant 6 : i32
          %dma_start3A_173 = arith.constant 768 : i32
          %dma_start3A_174 = arith.constant 0 : i32
          %dma_start3A_175 = tpu.memref_slice %arg9[%dma_start3A_173, %dma_start3A_174] : memref<1000x8xf32, #tpu.memory_space<vmem>> -> memref<128x8xf32, #tpu.memory_space<vmem>>
          %dma_start3A_176 = arith.constant 0 : i32
          %dma_start3A_177 = tpu.memref_slice %arg7[%dma_start3A_172, %dma_start3A_176] : memref<8x128xi32, #tpu.memory_space<vmem>> -> memref<1x128xi32, #tpu.memory_space<vmem>>
          %dma_start3A_178 = tpu.memref_squeeze %dma_start3A_177 : memref<1x128xi32, #tpu.memory_space<vmem>> -> memref<128xi32, #tpu.memory_space<vmem>>
          %dma_start3A_179 = arith.constant 0 : i32
          %dma_start3A_180 = arith.constant 0 : i32
          %dma_start3A_181 = tpu.memref_slice %arg5[%cond3A_67, %dma_start3A_179, %dma_start3A_180] : memref<2x524288x8xf32, #tpu.memory_space<hbm>> -> memref<1x524288x8xf32, #tpu.memory_space<hbm>>
          %dma_start3A_182 = tpu.memref_squeeze %dma_start3A_181 : memref<1x524288x8xf32, #tpu.memory_space<hbm>> -> memref<524288x8xf32, #tpu.memory_space<hbm>>
          %dma_start3A_183 = arith.constant 0 : i32
          %dma_start3A_184 = arith.constant 0 : i32
          %dma_start3A_185 = tpu.memref_slice %dma_start3A_182[%dma_start3A_183, %dma_start3A_184] : memref<524288x8xf32, #tpu.memory_space<hbm>> -> memref<524288x8xf32, #tpu.memory_space<hbm>>
          tpu.enqueue_indirect_dma source(%dma_start3A_185 : memref<524288x8xf32, #tpu.memory_space<hbm>>) target(%dma_start3A_175 : memref<128x8xf32, #tpu.memory_space<vmem>>) offsets(%dma_start3A_178 : memref<128xi32, #tpu.memory_space<vmem>>) semaphore(%arg14 : memref<!tpu.dma_semaphore, #tpu.memory_space<semaphore_mem>>)
          %dma_start3A_186 = arith.constant 7 : i32
          %dma_start3A_187 = arith.constant 896 : i32
          %dma_start3A_188 = arith.constant 0 : i32
          %dma_start3A_189 = tpu.memref_slice %arg9[%dma_start3A_187, %dma_start3A_188] : memref<1000x8xf32, #tpu.memory_space<vmem>> -> memref<104x8xf32, #tpu.memory_space<vmem>>
          %dma_start3A_190 = arith.constant 0 : i32
          %dma_start3A_191 = tpu.memref_slice %arg7[%dma_start3A_186, %dma_start3A_190] : memref<8x128xi32, #tpu.memory_space<vmem>> -> memref<1x104xi32, #tpu.memory_space<vmem>>
          %dma_start3A_192 = tpu.memref_squeeze %dma_start3A_191 : memref<1x104xi32, #tpu.memory_space<vmem>> -> memref<104xi32, #tpu.memory_space<vmem>>
          %dma_start3A_193 = arith.constant 0 : i32
          %dma_start3A_194 = arith.constant 0 : i32
          %dma_start3A_195 = tpu.memref_slice %arg5[%cond3A_67, %dma_start3A_193, %dma_start3A_194] : memref<2x524288x8xf32, #tpu.memory_space<hbm>> -> memref<1x524288x8xf32, #tpu.memory_space<hbm>>
          %dma_start3A_196 = tpu.memref_squeeze %dma_start3A_195 : memref<1x524288x8xf32, #tpu.memory_space<hbm>> -> memref<524288x8xf32, #tpu.memory_space<hbm>>
          %dma_start3A_197 = arith.constant 0 : i32
          %dma_start3A_198 = arith.constant 0 : i32
          %dma_start3A_199 = tpu.memref_slice %dma_start3A_196[%dma_start3A_197, %dma_start3A_198] : memref<524288x8xf32, #tpu.memory_space<hbm>> -> memref<524288x8xf32, #tpu.memory_space<hbm>>
          tpu.enqueue_indirect_dma source(%dma_start3A_199 : memref<524288x8xf32, #tpu.memory_space<hbm>>) target(%dma_start3A_189 : memref<104x8xf32, #tpu.memory_space<vmem>>) offsets(%dma_start3A_192 : memref<104xi32, #tpu.memory_space<vmem>>) semaphore(%arg14 : memref<!tpu.dma_semaphore, #tpu.memory_space<semaphore_mem>>)
          %dma_wait3A = arith.constant 0 : i32
          %dma_wait3A_200 = arith.constant 0 : i32
          %dma_wait3A_201 = arith.constant 0 : i32
          %dma_wait3A_202 = tpu.memref_slice %arg9[%dma_wait3A_200, %dma_wait3A_201] : memref<1000x8xf32, #tpu.memory_space<vmem>> -> memref<128x8xf32, #tpu.memory_space<vmem>>
          %dma_wait3A_203 = arith.constant 0 : i32
          %dma_wait3A_204 = tpu.memref_slice %arg7[%dma_wait3A, %dma_wait3A_203] : memref<8x128xi32, #tpu.memory_space<vmem>> -> memref<1x128xi32, #tpu.memory_space<vmem>>
          %dma_wait3A_205 = tpu.memref_squeeze %dma_wait3A_204 : memref<1x128xi32, #tpu.memory_space<vmem>> -> memref<128xi32, #tpu.memory_space<vmem>>
          %dma_wait3A_206 = arith.constant 0 : i32
          %dma_wait3A_207 = arith.constant 0 : i32
          %dma_wait3A_208 = tpu.memref_slice %arg5[%cond3A_67, %dma_wait3A_206, %dma_wait3A_207] : memref<2x524288x8xf32, #tpu.memory_space<hbm>> -> memref<1x524288x8xf32, #tpu.memory_space<hbm>>
          %dma_wait3A_209 = tpu.memref_squeeze %dma_wait3A_208 : memref<1x524288x8xf32, #tpu.memory_space<hbm>> -> memref<524288x8xf32, #tpu.memory_space<hbm>>
          %dma_wait3A_210 = arith.constant 0 : i32
          %dma_wait3A_211 = arith.constant 0 : i32
          %dma_wait3A_212 = tpu.memref_slice %dma_wait3A_209[%dma_wait3A_210, %dma_wait3A_211] : memref<524288x8xf32, #tpu.memory_space<hbm>> -> memref<524288x8xf32, #tpu.memory_space<hbm>>
          tpu.wait_indirect_dma semaphore(%arg14 : memref<!tpu.dma_semaphore, #tpu.memory_space<semaphore_mem>>) src(%dma_wait3A_212 : memref<524288x8xf32, #tpu.memory_space<hbm>>) dst(%dma_wait3A_202 : memref<128x8xf32, #tpu.memory_space<vmem>>)
          %dma_wait3A_213 = arith.constant 1 : i32
          %dma_wait3A_214 = arith.constant 128 : i32
          %dma_wait3A_215 = arith.constant 0 : i32
          %dma_wait3A_216 = tpu.memref_slice %arg9[%dma_wait3A_214, %dma_wait3A_215] : memref<1000x8xf32, #tpu.memory_space<vmem>> -> memref<128x8xf32, #tpu.memory_space<vmem>>
          %dma_wait3A_217 = arith.constant 0 : i32
          %dma_wait3A_218 = tpu.memref_slice %arg7[%dma_wait3A_213, %dma_wait3A_217] : memref<8x128xi32, #tpu.memory_space<vmem>> -> memref<1x128xi32, #tpu.memory_space<vmem>>
          %dma_wait3A_219 = tpu.memref_squeeze %dma_wait3A_218 : memref<1x128xi32, #tpu.memory_space<vmem>> -> memref<128xi32, #tpu.memory_space<vmem>>
          %dma_wait3A_220 = arith.constant 0 : i32
          %dma_wait3A_221 = arith.constant 0 : i32
          %dma_wait3A_222 = tpu.memref_slice %arg5[%cond3A_67, %dma_wait3A_220, %dma_wait3A_221] : memref<2x524288x8xf32, #tpu.memory_space<hbm>> -> memref<1x524288x8xf32, #tpu.memory_space<hbm>>
          %dma_wait3A_223 = tpu.memref_squeeze %dma_wait3A_222 : memref<1x524288x8xf32, #tpu.memory_space<hbm>> -> memref<524288x8xf32, #tpu.memory_space<hbm>>
          %dma_wait3A_224 = arith.constant 0 : i32
          %dma_wait3A_225 = arith.constant 0 : i32
          %dma_wait3A_226 = tpu.memref_slice %dma_wait3A_223[%dma_wait3A_224, %dma_wait3A_225] : memref<524288x8xf32, #tpu.memory_space<hbm>> -> memref<524288x8xf32, #tpu.memory_space<hbm>>
          tpu.wait_indirect_dma semaphore(%arg14 : memref<!tpu.dma_semaphore, #tpu.memory_space<semaphore_mem>>) src(%dma_wait3A_226 : memref<524288x8xf32, #tpu.memory_space<hbm>>) dst(%dma_wait3A_216 : memref<128x8xf32, #tpu.memory_space<vmem>>)
          %dma_wait3A_227 = arith.constant 2 : i32
          %dma_wait3A_228 = arith.constant 256 : i32
          %dma_wait3A_229 = arith.constant 0 : i32
          %dma_wait3A_230 = tpu.memref_slice %arg9[%dma_wait3A_228, %dma_wait3A_229] : memref<1000x8xf32, #tpu.memory_space<vmem>> -> memref<128x8xf32, #tpu.memory_space<vmem>>
          %dma_wait3A_231 = arith.constant 0 : i32
          %dma_wait3A_232 = tpu.memref_slice %arg7[%dma_wait3A_227, %dma_wait3A_231] : memref<8x128xi32, #tpu.memory_space<vmem>> -> memref<1x128xi32, #tpu.memory_space<vmem>>
          %dma_wait3A_233 = tpu.memref_squeeze %dma_wait3A_232 : memref<1x128xi32, #tpu.memory_space<vmem>> -> memref<128xi32, #tpu.memory_space<vmem>>
          %dma_wait3A_234 = arith.constant 0 : i32
          %dma_wait3A_235 = arith.constant 0 : i32
          %dma_wait3A_236 = tpu.memref_slice %arg5[%cond3A_67, %dma_wait3A_234, %dma_wait3A_235] : memref<2x524288x8xf32, #tpu.memory_space<hbm>> -> memref<1x524288x8xf32, #tpu.memory_space<hbm>>
          %dma_wait3A_237 = tpu.memref_squeeze %dma_wait3A_236 : memref<1x524288x8xf32, #tpu.memory_space<hbm>> -> memref<524288x8xf32, #tpu.memory_space<hbm>>
          %dma_wait3A_238 = arith.constant 0 : i32
          %dma_wait3A_239 = arith.constant 0 : i32
          %dma_wait3A_240 = tpu.memref_slice %dma_wait3A_237[%dma_wait3A_238, %dma_wait3A_239] : memref<524288x8xf32, #tpu.memory_space<hbm>> -> memref<524288x8xf32, #tpu.memory_space<hbm>>
          tpu.wait_indirect_dma semaphore(%arg14 : memref<!tpu.dma_semaphore, #tpu.memory_space<semaphore_mem>>) src(%dma_wait3A_240 : memref<524288x8xf32, #tpu.memory_space<hbm>>) dst(%dma_wait3A_230 : memref<128x8xf32, #tpu.memory_space<vmem>>)
          %dma_wait3A_241 = arith.constant 3 : i32
          %dma_wait3A_242 = arith.constant 384 : i32
          %dma_wait3A_243 = arith.constant 0 : i32
          %dma_wait3A_244 = tpu.memref_slice %arg9[%dma_wait3A_242, %dma_wait3A_243] : memref<1000x8xf32, #tpu.memory_space<vmem>> -> memref<128x8xf32, #tpu.memory_space<vmem>>
          %dma_wait3A_245 = arith.constant 0 : i32
          %dma_wait3A_246 = tpu.memref_slice %arg7[%dma_wait3A_241, %dma_wait3A_245] : memref<8x128xi32, #tpu.memory_space<vmem>> -> memref<1x128xi32, #tpu.memory_space<vmem>>
          %dma_wait3A_247 = tpu.memref_squeeze %dma_wait3A_246 : memref<1x128xi32, #tpu.memory_space<vmem>> -> memref<128xi32, #tpu.memory_space<vmem>>
          %dma_wait3A_248 = arith.constant 0 : i32
          %dma_wait3A_249 = arith.constant 0 : i32
          %dma_wait3A_250 = tpu.memref_slice %arg5[%cond3A_67, %dma_wait3A_248, %dma_wait3A_249] : memref<2x524288x8xf32, #tpu.memory_space<hbm>> -> memref<1x524288x8xf32, #tpu.memory_space<hbm>>
          %dma_wait3A_251 = tpu.memref_squeeze %dma_wait3A_250 : memref<1x524288x8xf32, #tpu.memory_space<hbm>> -> memref<524288x8xf32, #tpu.memory_space<hbm>>
          %dma_wait3A_252 = arith.constant 0 : i32
          %dma_wait3A_253 = arith.constant 0 : i32
          %dma_wait3A_254 = tpu.memref_slice %dma_wait3A_251[%dma_wait3A_252, %dma_wait3A_253] : memref<524288x8xf32, #tpu.memory_space<hbm>> -> memref<524288x8xf32, #tpu.memory_space<hbm>>
          tpu.wait_indirect_dma semaphore(%arg14 : memref<!tpu.dma_semaphore, #tpu.memory_space<semaphore_mem>>) src(%dma_wait3A_254 : memref<524288x8xf32, #tpu.memory_space<hbm>>) dst(%dma_wait3A_244 : memref<128x8xf32, #tpu.memory_space<vmem>>)
          %dma_wait3A_255 = arith.constant 4 : i32
          %dma_wait3A_256 = arith.constant 512 : i32
          %dma_wait3A_257 = arith.constant 0 : i32
          %dma_wait3A_258 = tpu.memref_slice %arg9[%dma_wait3A_256, %dma_wait3A_257] : memref<1000x8xf32, #tpu.memory_space<vmem>> -> memref<128x8xf32, #tpu.memory_space<vmem>>
          %dma_wait3A_259 = arith.constant 0 : i32
          %dma_wait3A_260 = tpu.memref_slice %arg7[%dma_wait3A_255, %dma_wait3A_259] : memref<8x128xi32, #tpu.memory_space<vmem>> -> memref<1x128xi32, #tpu.memory_space<vmem>>
          %dma_wait3A_261 = tpu.memref_squeeze %dma_wait3A_260 : memref<1x128xi32, #tpu.memory_space<vmem>> -> memref<128xi32, #tpu.memory_space<vmem>>
          %dma_wait3A_262 = arith.constant 0 : i32
          %dma_wait3A_263 = arith.constant 0 : i32
          %dma_wait3A_264 = tpu.memref_slice %arg5[%cond3A_67, %dma_wait3A_262, %dma_wait3A_263] : memref<2x524288x8xf32, #tpu.memory_space<hbm>> -> memref<1x524288x8xf32, #tpu.memory_space<hbm>>
          %dma_wait3A_265 = tpu.memref_squeeze %dma_wait3A_264 : memref<1x524288x8xf32, #tpu.memory_space<hbm>> -> memref<524288x8xf32, #tpu.memory_space<hbm>>
          %dma_wait3A_266 = arith.constant 0 : i32
          %dma_wait3A_267 = arith.constant 0 : i32
          %dma_wait3A_268 = tpu.memref_slice %dma_wait3A_265[%dma_wait3A_266, %dma_wait3A_267] : memref<524288x8xf32, #tpu.memory_space<hbm>> -> memref<524288x8xf32, #tpu.memory_space<hbm>>
          tpu.wait_indirect_dma semaphore(%arg14 : memref<!tpu.dma_semaphore, #tpu.memory_space<semaphore_mem>>) src(%dma_wait3A_268 : memref<524288x8xf32, #tpu.memory_space<hbm>>) dst(%dma_wait3A_258 : memref<128x8xf32, #tpu.memory_space<vmem>>)
          %dma_wait3A_269 = arith.constant 5 : i32
          %dma_wait3A_270 = arith.constant 640 : i32
          %dma_wait3A_271 = arith.constant 0 : i32
          %dma_wait3A_272 = tpu.memref_slice %arg9[%dma_wait3A_270, %dma_wait3A_271] : memref<1000x8xf32, #tpu.memory_space<vmem>> -> memref<128x8xf32, #tpu.memory_space<vmem>>
          %dma_wait3A_273 = arith.constant 0 : i32
          %dma_wait3A_274 = tpu.memref_slice %arg7[%dma_wait3A_269, %dma_wait3A_273] : memref<8x128xi32, #tpu.memory_space<vmem>> -> memref<1x128xi32, #tpu.memory_space<vmem>>
          %dma_wait3A_275 = tpu.memref_squeeze %dma_wait3A_274 : memref<1x128xi32, #tpu.memory_space<vmem>> -> memref<128xi32, #tpu.memory_space<vmem>>
          %dma_wait3A_276 = arith.constant 0 : i32
          %dma_wait3A_277 = arith.constant 0 : i32
          %dma_wait3A_278 = tpu.memref_slice %arg5[%cond3A_67, %dma_wait3A_276, %dma_wait3A_277] : memref<2x524288x8xf32, #tpu.memory_space<hbm>> -> memref<1x524288x8xf32, #tpu.memory_space<hbm>>
          %dma_wait3A_279 = tpu.memref_squeeze %dma_wait3A_278 : memref<1x524288x8xf32, #tpu.memory_space<hbm>> -> memref<524288x8xf32, #tpu.memory_space<hbm>>
          %dma_wait3A_280 = arith.constant 0 : i32
          %dma_wait3A_281 = arith.constant 0 : i32
          %dma_wait3A_282 = tpu.memref_slice %dma_wait3A_279[%dma_wait3A_280, %dma_wait3A_281] : memref<524288x8xf32, #tpu.memory_space<hbm>> -> memref<524288x8xf32, #tpu.memory_space<hbm>>
          tpu.wait_indirect_dma semaphore(%arg14 : memref<!tpu.dma_semaphore, #tpu.memory_space<semaphore_mem>>) src(%dma_wait3A_282 : memref<524288x8xf32, #tpu.memory_space<hbm>>) dst(%dma_wait3A_272 : memref<128x8xf32, #tpu.memory_space<vmem>>)
          %dma_wait3A_283 = arith.constant 6 : i32
          %dma_wait3A_284 = arith.constant 768 : i32
          %dma_wait3A_285 = arith.constant 0 : i32
          %dma_wait3A_286 = tpu.memref_slice %arg9[%dma_wait3A_284, %dma_wait3A_285] : memref<1000x8xf32, #tpu.memory_space<vmem>> -> memref<128x8xf32, #tpu.memory_space<vmem>>
          %dma_wait3A_287 = arith.constant 0 : i32
          %dma_wait3A_288 = tpu.memref_slice %arg7[%dma_wait3A_283, %dma_wait3A_287] : memref<8x128xi32, #tpu.memory_space<vmem>> -> memref<1x128xi32, #tpu.memory_space<vmem>>
          %dma_wait3A_289 = tpu.memref_squeeze %dma_wait3A_288 : memref<1x128xi32, #tpu.memory_space<vmem>> -> memref<128xi32, #tpu.memory_space<vmem>>
          %dma_wait3A_290 = arith.constant 0 : i32
          %dma_wait3A_291 = arith.constant 0 : i32
          %dma_wait3A_292 = tpu.memref_slice %arg5[%cond3A_67, %dma_wait3A_290, %dma_wait3A_291] : memref<2x524288x8xf32, #tpu.memory_space<hbm>> -> memref<1x524288x8xf32, #tpu.memory_space<hbm>>
          %dma_wait3A_293 = tpu.memref_squeeze %dma_wait3A_292 : memref<1x524288x8xf32, #tpu.memory_space<hbm>> -> memref<524288x8xf32, #tpu.memory_space<hbm>>
          %dma_wait3A_294 = arith.constant 0 : i32
          %dma_wait3A_295 = arith.constant 0 : i32
          %dma_wait3A_296 = tpu.memref_slice %dma_wait3A_293[%dma_wait3A_294, %dma_wait3A_295] : memref<524288x8xf32, #tpu.memory_space<hbm>> -> memref<524288x8xf32, #tpu.memory_space<hbm>>
          tpu.wait_indirect_dma semaphore(%arg14 : memref<!tpu.dma_semaphore, #tpu.memory_space<semaphore_mem>>) src(%dma_wait3A_296 : memref<524288x8xf32, #tpu.memory_space<hbm>>) dst(%dma_wait3A_286 : memref<128x8xf32, #tpu.memory_space<vmem>>)
          %dma_wait3A_297 = arith.constant 7 : i32
          %dma_wait3A_298 = arith.constant 896 : i32
          %dma_wait3A_299 = arith.constant 0 : i32
          %dma_wait3A_300 = tpu.memref_slice %arg9[%dma_wait3A_298, %dma_wait3A_299] : memref<1000x8xf32, #tpu.memory_space<vmem>> -> memref<104x8xf32, #tpu.memory_space<vmem>>
          %dma_wait3A_301 = arith.constant 0 : i32
          %dma_wait3A_302 = tpu.memref_slice %arg7[%dma_wait3A_297, %dma_wait3A_301] : memref<8x128xi32, #tpu.memory_space<vmem>> -> memref<1x104xi32, #tpu.memory_space<vmem>>
          %dma_wait3A_303 = tpu.memref_squeeze %dma_wait3A_302 : memref<1x104xi32, #tpu.memory_space<vmem>> -> memref<104xi32, #tpu.memory_space<vmem>>
          %dma_wait3A_304 = arith.constant 0 : i32
          %dma_wait3A_305 = arith.constant 0 : i32
          %dma_wait3A_306 = tpu.memref_slice %arg5[%cond3A_67, %dma_wait3A_304, %dma_wait3A_305] : memref<2x524288x8xf32, #tpu.memory_space<hbm>> -> memref<1x524288x8xf32, #tpu.memory_space<hbm>>
          %dma_wait3A_307 = tpu.memref_squeeze %dma_wait3A_306 : memref<1x524288x8xf32, #tpu.memory_space<hbm>> -> memref<524288x8xf32, #tpu.memory_space<hbm>>
          %dma_wait3A_308 = arith.constant 0 : i32
          %dma_wait3A_309 = arith.constant 0 : i32
          %dma_wait3A_310 = tpu.memref_slice %dma_wait3A_307[%dma_wait3A_308, %dma_wait3A_309] : memref<524288x8xf32, #tpu.memory_space<hbm>> -> memref<524288x8xf32, #tpu.memory_space<hbm>>
          tpu.wait_indirect_dma semaphore(%arg14 : memref<!tpu.dma_semaphore, #tpu.memory_space<semaphore_mem>>) src(%dma_wait3A_310 : memref<524288x8xf32, #tpu.memory_space<hbm>>) dst(%dma_wait3A_300 : memref<104x8xf32, #tpu.memory_space<vmem>>)
          %scan3A_311 = arith.constant 0 : i32
          %scan3A_312 = arith.constant 63 : i32
          %scan3A_313 = arith.addi %scan3A_311, %scan3A_312 : i32
          %scan3A_314 = arith.constant 1 : i32
          scf.for %scan3A_318 = %scan3A_311 to %scan3A_313 step %scan3A_314  : i32 {
            %mul3A_319 = arith.constant 16 : i32
            %mul3A_320 = arith.muli %scan3A_318, %mul3A_319 : i32
            %get3A = arith.index_cast %mul3A_320 : i32 to index
            %get3A_321 = tpu.vector_load %arg8[%get3A] {strides = array<i32>} : memref<1008xi32, #tpu.memory_space<vmem>>, vector<16xi32>,
            %gt3A = arith.constant 0 : i32
            %gt3A_322 = vector.broadcast %gt3A : i32 to vector<16xi32>
            %gt3A_323 = arith.cmpi sgt, %get3A_321, %gt3A_322 : vector<16xi32>
            %mul3A_324 = arith.constant 16 : i32
            %mul3A_325 = arith.muli %scan3A_318, %mul3A_324 : i32
            %add3A_326 = vector.broadcast %mul3A_325 : i32 to vector<16xi32>
            %add3A_327 = arith.addi %iota3A, %add3A_326 : vector<16xi32>
            %lt3A_328 = arith.constant 1000 : i32
            %lt3A_329 = vector.broadcast %lt3A_328 : i32 to vector<16xi32>
            %lt3A_330 = arith.cmpi slt, %add3A_327, %lt3A_329 : vector<16xi32>
            %mul3A_331 = arith.constant 8 : i32
            %mul3A_332 = vector.broadcast %mul3A_331 : i32 to vector<16xi32>
            %mul3A_333 = arith.muli %add3A_327, %mul3A_332 : vector<16xi32>
            %gather3A_334 = tpu.vector_load_idx %arg9[%add3A_327, %broadcast_in_dim3A_20] masked %lt3A_330 : memref<1000x8xf32, #tpu.memory_space<vmem>>[vector<16xi32>, vector<16xi32>], vector<16xf32>, vector<16xi1>
            %select_n3A = arith.select %gt3A_323, %gather3A_334, %gather3A : vector<16xi1>, vector<16xf32>
            %add3A_335 = arith.constant 0 : i32
            %add3A_336 = vector.broadcast %add3A_335 : i32 to vector<16xi32>
            %add3A_337 = arith.addi %mul3A_333, %add3A_336 : vector<16xi32>
            tpu.vector_store_idx %arg10[%add3A_337], %select_n3A masked %lt3A_330 : memref<8064xf32, #tpu.memory_space<vmem>>[vector<16xi32>], vector<16xf32>, vector<16xi1>
            %gather3A_338 = tpu.vector_load_idx %arg9[%add3A_327, %broadcast_in_dim3A_22] masked %lt3A_330 : memref<1000x8xf32, #tpu.memory_space<vmem>>[vector<16xi32>, vector<16xi32>], vector<16xf32>, vector<16xi1>
            %select_n3A_339 = arith.select %gt3A_323, %gather3A_338, %gather3A_39 : vector<16xi1>, vector<16xf32>
            %add3A_340 = arith.constant 1 : i32
            %add3A_341 = vector.broadcast %add3A_340 : i32 to vector<16xi32>
            %add3A_342 = arith.addi %mul3A_333, %add3A_341 : vector<16xi32>
            tpu.vector_store_idx %arg10[%add3A_342], %select_n3A_339 masked %lt3A_330 : memref<8064xf32, #tpu.memory_space<vmem>>[vector<16xi32>], vector<16xf32>, vector<16xi1>
            %gather3A_343 = tpu.vector_load_idx %arg9[%add3A_327, %broadcast_in_dim3A_24] masked %lt3A_330 : memref<1000x8xf32, #tpu.memory_space<vmem>>[vector<16xi32>, vector<16xi32>], vector<16xf32>, vector<16xi1>
            %select_n3A_344 = arith.select %gt3A_323, %gather3A_343, %gather3A_42 : vector<16xi1>, vector<16xf32>
            %add3A_345 = arith.constant 2 : i32
            %add3A_346 = vector.broadcast %add3A_345 : i32 to vector<16xi32>
            %add3A_347 = arith.addi %mul3A_333, %add3A_346 : vector<16xi32>
            tpu.vector_store_idx %arg10[%add3A_347], %select_n3A_344 masked %lt3A_330 : memref<8064xf32, #tpu.memory_space<vmem>>[vector<16xi32>], vector<16xf32>, vector<16xi1>
            %gather3A_348 = tpu.vector_load_idx %arg9[%add3A_327, %broadcast_in_dim3A_26] masked %lt3A_330 : memref<1000x8xf32, #tpu.memory_space<vmem>>[vector<16xi32>, vector<16xi32>], vector<16xf32>, vector<16xi1>
            %select_n3A_349 = arith.select %gt3A_323, %gather3A_348, %gather3A_45 : vector<16xi1>, vector<16xf32>
            %add3A_350 = arith.constant 3 : i32
            %add3A_351 = vector.broadcast %add3A_350 : i32 to vector<16xi32>
            %add3A_352 = arith.addi %mul3A_333, %add3A_351 : vector<16xi32>
            tpu.vector_store_idx %arg10[%add3A_352], %select_n3A_349 masked %lt3A_330 : memref<8064xf32, #tpu.memory_space<vmem>>[vector<16xi32>], vector<16xf32>, vector<16xi1>
            %gather3A_353 = tpu.vector_load_idx %arg9[%add3A_327, %broadcast_in_dim3A_28] masked %lt3A_330 : memref<1000x8xf32, #tpu.memory_space<vmem>>[vector<16xi32>, vector<16xi32>], vector<16xf32>, vector<16xi1>
            %select_n3A_354 = arith.select %gt3A_323, %gather3A_353, %gather3A_48 : vector<16xi1>, vector<16xf32>
            %add3A_355 = arith.constant 4 : i32
            %add3A_356 = vector.broadcast %add3A_355 : i32 to vector<16xi32>
            %add3A_357 = arith.addi %mul3A_333, %add3A_356 : vector<16xi32>
            tpu.vector_store_idx %arg10[%add3A_357], %select_n3A_354 masked %lt3A_330 : memref<8064xf32, #tpu.memory_space<vmem>>[vector<16xi32>], vector<16xf32>, vector<16xi1>
            %gather3A_358 = tpu.vector_load_idx %arg9[%add3A_327, %broadcast_in_dim3A_30] masked %lt3A_330 : memref<1000x8xf32, #tpu.memory_space<vmem>>[vector<16xi32>, vector<16xi32>], vector<16xf32>, vector<16xi1>
            %select_n3A_359 = arith.select %gt3A_323, %gather3A_358, %gather3A_51 : vector<16xi1>, vector<16xf32>
            %add3A_360 = arith.constant 5 : i32
            %add3A_361 = vector.broadcast %add3A_360 : i32 to vector<16xi32>
            %add3A_362 = arith.addi %mul3A_333, %add3A_361 : vector<16xi32>
            tpu.vector_store_idx %arg10[%add3A_362], %select_n3A_359 masked %lt3A_330 : memref<8064xf32, #tpu.memory_space<vmem>>[vector<16xi32>], vector<16xf32>, vector<16xi1>
            %gather3A_363 = tpu.vector_load_idx %arg9[%add3A_327, %broadcast_in_dim3A_32] masked %lt3A_330 : memref<1000x8xf32, #tpu.memory_space<vmem>>[vector<16xi32>, vector<16xi32>], vector<16xf32>, vector<16xi1>
            %select_n3A_364 = arith.select %gt3A_323, %gather3A_363, %gather3A_54 : vector<16xi1>, vector<16xf32>
            %add3A_365 = arith.constant 6 : i32
            %add3A_366 = vector.broadcast %add3A_365 : i32 to vector<16xi32>
            %add3A_367 = arith.addi %mul3A_333, %add3A_366 : vector<16xi32>
            tpu.vector_store_idx %arg10[%add3A_367], %select_n3A_364 masked %lt3A_330 : memref<8064xf32, #tpu.memory_space<vmem>>[vector<16xi32>], vector<16xf32>, vector<16xi1>
            %gather3A_368 = tpu.vector_load_idx %arg9[%add3A_327, %broadcast_in_dim3A_34] masked %lt3A_330 : memref<1000x8xf32, #tpu.memory_space<vmem>>[vector<16xi32>, vector<16xi32>], vector<16xf32>, vector<16xi1>
            %select_n3A_369 = arith.select %gt3A_323, %gather3A_368, %gather3A_57 : vector<16xi1>, vector<16xf32>
            %add3A_370 = arith.constant 7 : i32
            %add3A_371 = vector.broadcast %add3A_370 : i32 to vector<16xi32>
            %add3A_372 = arith.addi %mul3A_333, %add3A_371 : vector<16xi32>
            tpu.vector_store_idx %arg10[%add3A_372], %select_n3A_369 masked %lt3A_330 : memref<8064xf32, #tpu.memory_space<vmem>>[vector<16xi32>], vector<16xf32>, vector<16xi1>
          }
          %scan3A_315 = arith.constant 63 : i32
          %mul3A_316 = arith.constant 8 : i32
          %mul3A_317 = arith.muli %mul3A_83, %mul3A_316 : i32
          "tpu.region"() ({
            %run_scoped3A = tpu.sem_alloc : memref<!tpu.dma_semaphore, #tpu.memory_space<semaphore_mem>>
            %dma_start3A_318 = arith.constant 0 : i32
            %dma_start3A_319 = tpu.memref_slice %arg10[%dma_start3A_318] : memref<8064xf32, #tpu.memory_space<vmem>> -> memref<8000xf32, #tpu.memory_space<vmem>>
            %dma_start3A_320 = tpu.memref_slice %arg4[%mul3A_317] : memref<8000000xf32, #tpu.memory_space<hbm>> -> memref<8000xf32, #tpu.memory_space<hbm>>
            %dma_start3A_321 = tpu.memref_slice %arg4[%mul3A_317] : memref<8000000xf32, #tpu.memory_space<hbm>> -> memref<8000xf32, #tpu.memory_space<hbm>>
            %dma_start3A_322 = arith.constant 0 : i32
            %dma_start3A_323 = tpu.memref_slice %arg10[%dma_start3A_322] : memref<8064xf32, #tpu.memory_space<vmem>> -> memref<8000xf32, #tpu.memory_space<vmem>>
            tpu.enqueue_dma source(%dma_start3A_323 : memref<8000xf32, #tpu.memory_space<vmem>>) target(%dma_start3A_321 : memref<8000xf32, #tpu.memory_space<hbm>>) target_semaphore(%run_scoped3A : memref<!tpu.dma_semaphore, #tpu.memory_space<semaphore_mem>>)
            %dma_wait3A_324 = arith.constant 0 : i32
            %dma_wait3A_325 = tpu.memref_slice %arg10[%dma_wait3A_324] : memref<8064xf32, #tpu.memory_space<vmem>> -> memref<8000xf32, #tpu.memory_space<vmem>>
            %dma_wait3A_326 = tpu.memref_slice %arg4[%mul3A_317] : memref<8000000xf32, #tpu.memory_space<hbm>> -> memref<8000xf32, #tpu.memory_space<hbm>>
            %dma_wait3A_327 = tpu.memref_slice %arg4[%mul3A_317] : memref<8000000xf32, #tpu.memory_space<hbm>> -> memref<8000xf32, #tpu.memory_space<hbm>>
            %dma_wait3A_328 = arith.constant 0 : i32
            %dma_wait3A_329 = tpu.memref_slice %arg10[%dma_wait3A_328] : memref<8064xf32, #tpu.memory_space<vmem>> -> memref<8000xf32, #tpu.memory_space<vmem>>
            tpu.wait_dma2 semaphore(%run_scoped3A : memref<!tpu.dma_semaphore, #tpu.memory_space<semaphore_mem>>) src(%dma_wait3A_329 : memref<8000xf32, #tpu.memory_space<vmem>>) dst(%dma_wait3A_327 : memref<8000xf32, #tpu.memory_space<hbm>>)
            tpu.yield
          }) : () -> ()
        } else {
        }
      }
      %scan3A_73 = arith.constant 32 : i32
    } else {
    }
    return
  }
}

module attributes {stable_mosaic.version = 14 : i64} {
  func.func @body(%arg0: i32, %arg1: memref<8192x3xf32, #tpu.memory_space<vmem>>, %arg2: memref<8192xi32, #tpu.memory_space<vmem>>) attributes {dimension_semantics = [#tpu.dimension_semantics<arbitrary>], iteration_bounds = array<i64: 123>, scalar_prefetch = 0 : i64, scratch_operands = 0 : i64, tpu.core_type = #tpu.core_type<tc>, window_params = [{transform_indices = @transform_0, window_bounds = array<i64: 8192, 3>}, {transform_indices = @transform_1, window_bounds = array<i64: 8192>}]} {
    %get3A = arith.constant 0 : index
    %get3A_0 = arith.constant 0 : index
    %get3A_1 = vector.load %arg1[%get3A, %get3A_0] : memref<8192x3xf32, #tpu.memory_space<vmem>>, vector<8192x3xf32>
    %add3A = arith.constant 1.000000e+00 : f32
    %add3A_2 = vector.broadcast %add3A : f32 to vector<8192x3xf32>
    %add3A_3 = arith.addf %get3A_1, %add3A_2 : vector<8192x3xf32>
    %mul3A = arith.constant 5.000000e-01 : f32
    %mul3A_4 = vector.broadcast %mul3A : f32 to vector<8192x3xf32>
    %mul3A_5 = arith.mulf %add3A_3, %mul3A_4 : vector<8192x3xf32>
    %mul3A_6 = arith.constant 1.280000e+02 : f32
    %mul3A_7 = vector.broadcast %mul3A_6 : f32 to vector<8192x3xf32>
    %mul3A_8 = arith.mulf %mul3A_5, %mul3A_7 : vector<8192x3xf32>
    %max3A = arith.constant 0.000000e+00 : f32
    %max3A_9 = vector.broadcast %max3A : f32 to vector<8192x3xf32>
    %max3A_10 = arith.maximumf %mul3A_8, %max3A_9 : vector<8192x3xf32>
    %min3A = arith.constant 1.270000e+02 : f32
    %min3A_11 = vector.broadcast %min3A : f32 to vector<8192x3xf32>
    %min3A_12 = arith.minimumf %max3A_10, %min3A_11 : vector<8192x3xf32>
    %slice3A = vector.extract_strided_slice %min3A_12 {offsets = [0, 0], sizes = [8192, 1], strides = [1, 1]} : vector<8192x3xf32> to vector<8192x1xf32>
    %squeeze3A = vector.shape_cast %slice3A : vector<8192x1xf32> to vector<8192xf32>
    %mul3A_13 = arith.constant 1.638400e+04 : f32
    %mul3A_14 = vector.broadcast %mul3A_13 : f32 to vector<8192xf32>
    %mul3A_15 = arith.mulf %squeeze3A, %mul3A_14 : vector<8192xf32>
    %slice3A_16 = vector.extract_strided_slice %min3A_12 {offsets = [0, 1], sizes = [8192, 1], strides = [1, 1]} : vector<8192x3xf32> to vector<8192x1xf32>
    %squeeze3A_17 = vector.shape_cast %slice3A_16 : vector<8192x1xf32> to vector<8192xf32>
    %mul3A_18 = arith.constant 1.280000e+02 : f32
    %mul3A_19 = vector.broadcast %mul3A_18 : f32 to vector<8192xf32>
    %mul3A_20 = arith.mulf %squeeze3A_17, %mul3A_19 : vector<8192xf32>
    %add3A_21 = arith.addf %mul3A_15, %mul3A_20 : vector<8192xf32>
    %slice3A_22 = vector.extract_strided_slice %min3A_12 {offsets = [0, 2], sizes = [8192, 1], strides = [1, 1]} : vector<8192x3xf32> to vector<8192x1xf32>
    %squeeze3A_23 = vector.shape_cast %slice3A_22 : vector<8192x1xf32> to vector<8192xf32>
    %add3A_24 = arith.addf %add3A_21, %squeeze3A_23 : vector<8192xf32>
    %convert_element_type3A = arith.fptosi %add3A_24 : vector<8192xf32> to vector<8192xi32>
    %max3A_25 = arith.constant 0 : i32
    %max3A_26 = vector.broadcast %max3A_25 : i32 to vector<8192xi32>
    %max3A_27 = arith.maxsi %convert_element_type3A, %max3A_26 : vector<8192xi32>
    %min3A_28 = arith.constant 524287 : i32
    %min3A_29 = vector.broadcast %min3A_28 : i32 to vector<8192xi32>
    %min3A_30 = arith.minsi %max3A_27, %min3A_29 : vector<8192xi32>
    %swap3A = arith.constant 0 : index
    %swap3A_31 = vector.load %arg2[%swap3A] : memref<8192xi32, #tpu.memory_space<vmem>>, vector<8192xi32>
    tpu.vector_store %arg2[%swap3A], %min3A_30 {strides = array<i32>} : memref<8192xi32, #tpu.memory_space<vmem>>, vector<8192xi32>,
    return
  }
  func.func @transform_0(%arg0: i32) -> (i32, i32) {
    %c0_i32 = arith.constant 0 : i32
    %c0_i32_0 = arith.constant 0 : i32
    return %arg0, %c0_i32 : i32, i32
  }
  func.func @transform_1(%arg0: i32) -> i32 {
    %c0_i32 = arith.constant 0 : i32
    return %arg0 : i32
  }
}

</mosaic_0001>

<sc_bundles>
// kernel: kernel.4.cloned.1.call-start
scs
__scs_entry_jumppad:
0x0: {  	(pc) =	sbr.rel $0x88, $3  }
0x1: {  	(tag) =	ssettag $0x0;
	lr =	simm.s32 $0x1  }
0x2: {  	[smem:$0x3F9F] =	sst lr;
	_ =	strace $0xD0000000  }
0x3: {  	_ = 	snop  }
0x4: {  	_ = 	snop  }
0x5: {  	_ = 	snop  }
0x6: {  	_ = 	snop  }
0x7: {  	_ = 	snop  }
__scs_overlays_trampoline_lowered:
0x8: {  	[smem:$0x3FAE] =	sst s0  }
0x9: {  	[smem:$0x3FAF] =	sst s1  }
0xa: {  	[smem:$0x3FB0] =	sst s2  }
0xb: {  	[smem:$0x3FB1] =	sst s3  }
0xc: {  	[smem:$0x3FB2] =	sst s4  }
0xd: {  	[smem:$0x3FB3] =	sst s5  }
0xe: {  	[smem:$0x3FB4] =	sst s6  }
0xf: {  	[smem:$0x3FB5] =	sst s7  }
0x10: {  	[smem:$0x3FB6] =	sst s8  }
0x11: {  	[smem:$0x3FB7] =	sst s9;
	s0 =	simm.s32 @!p0 $0x0  }
0x12: {  	s1 =	sld [smem:$0x3F9D];
	s0 =	simm.s32 @p0 $0x1  }
0x13: {  	[smem:$0x3FB8] =	sst s0;
	s0 =	simm.s32 @!p1 $0x0  }
0x14: {  	s2 =	sld [smem:$0x3F9C];
	s0 =	simm.s32 @p1 $0x1  }
0x15: {  	[smem:$0x3FB9] =	sst s0;
	s0 =	simm.s32 @!p2 $0x0  }
0x16: {  	s3 =	sld [smem:$0x3FDB];
	s0 =	simm.s32 @p2 $0x1  }
0x17: {  	s4 =	simm.s32 $0x1BF5;
	[smem:$0x3FBB] =	sst s0  }
0x18: {  	s0 =	sld [smem:$0x3F9E];
	_ =	swait.ge [sflag:s4], $0x0  }
0x19: {  	s7 =	sld [smem:$0x3F9F]  }
0x1a: {  	s8 =	sadd.s32 $0xFFFFE003, lr  }
0x1b: {  	s9 =	sadd.s32 $0xFFFFFEF7, lr;
	s5 =	simm.s32 $0xFFFFFFFF;
	p2 =	slt.u32 s8, $0xFFFFF086  }
0x1c: {  	p1 =	slt.u32 s9, $0xF7A;
	s5 =	simm.s32 @!p2 $0x0  }
0x1d: {  	s5 =	simm.s32 @p1 $0x1;
	p0 =	seq.s32 s7, s2  }
0x1e: {  	s7 =	smul.u32 @!p0 $0xF7A, s2;
	p2 =	seq.s32 @!p0 s5, $0x0  }
0x1f: {  	s9 =	smul.u32 $0xF7A, s1;
	s8 =	simm.s32 @!p0 $0x1BF5;
	p2 =	por !p2, p0  }
0x20: {  	[sflag:s8] =	ssyncset.s32 @!p0 $0xFFFFF086;
	s6 =	sadd.s32 @!p0 s3, s7;
	s7 =	simm.s32 @!p0 $0x108  }
0x21: {  	s3 =	sadd.s32 s3, s9;
	s6 =	sadd.s32 @!p0 $0x88, s6;
	s7 =	simm.s32 @p2 $0x1082  }
0x22: {  	[simem:s7], [sflag:s8] =	dma.local @!p0 [hbm:s6], $0xF7A  }
0x23: {  	s9 =	sor.u32 $0xD0000000, s2;
	s6 =	simm.s32 $0x108;
	_ =	swait.ge @!p0 [sflag:s8], $0x0  }
0x24: {  	s3 =	sadd.s32 $0x88, s3;
	s6 =	simm.s32 @!p1 $0x1082;
	[sflag:s4] =	ssyncset.s32 $0xFFFFF086  }
0x25: {  	[simem:s6], [sflag:s4] =	dma.local [hbm:s3], $0xF7A  }
0x26: {  	[smem:$0x3F9F] =	sst s1;
	(tag) =	ssettag s2;
	_ =	strace s9  }
0x27: {  	s1 =	sld [smem:$0x3FAF]  }
0x28: {  	s2 =	sld [smem:$0x3FB0]  }
0x29: {  	s4 =	sld [smem:$0x3FB2]  }
0x2a: {  	p0 =	seq.s32 s5, $0x0;
	s5 =	sld [smem:$0x3FB3]  }
0x2b: {  	s6 =	sld [smem:$0x3FB4]  }
0x2c: {  	s7 =	sld [smem:$0x3FB5]  }
0x2d: {  	s3 =	simm.s32 $0x108;
	s8 =	sld [smem:$0x3FB6]  }
0x2e: {  	s3 =	simm.s32 @!p0 $0x1082;
	s9 =	sld [smem:$0x3FB7]  }
0x2f: {  	lr =	sadd.s32 s0, s3;
	s0 =	sld [smem:$0x3FAE]  }
0x30: {  	s3 =	sld [smem:$0x3FB1]  }
0x31: {  	[smem:$0x3FBA] =	sst s10  }
0x32: {  	s10 =	sld [smem:$0x3FB8];
	_ =	sdelay $0x3  }
0x33: {  	p0 =	seq.s32 s10, $0x1;
	s10 =	sld [smem:$0x3FBA];
	_ =	sdelay $0x3  }
0x34: {  	[smem:$0x3FBA] =	sst s10  }
0x35: {  	s10 =	sld [smem:$0x3FB9];
	_ =	sdelay $0x3  }
0x36: {  	p1 =	seq.s32 s10, $0x1;
	s10 =	sld [smem:$0x3FBA];
	_ =	sdelay $0x3  }
0x37: {  	[smem:$0x3FBA] =	sst s10  }
0x38: {  	s10 =	sld [smem:$0x3FBB]  }
0x39: {  	_ = 	snop;
	(pc) =	sbr.ind lr, $3  }
0x3a: {  	_ = 	snop  }
0x3b: {  	_ = 	snop  }
0x3c: {  	p2 =	seq.s32 s10, $0x1;
	s10 =	sld [smem:$0x3FBA]  }
0x3d: {  	_ =	shalt  }
0x3e: {  	_ =	shalt  }
0x3f: {  	_ =	shalt  }
0x40: {  	_ =	shalt  }
0x41: {  	_ =	shalt  }
0x42: {  	_ =	shalt  }
0x43: {  	_ =	shalt  }
0x44: {  	_ =	shalt  }
0x45: {  	_ =	shalt  }
0x46: {  	_ =	shalt  }
0x47: {  	_ =	shalt  }
0x48: {  	_ =	shalt  }
0x49: {  	_ =	shalt  }
0x4a: {  	_ =	shalt  }
0x4b: {  	_ =	shalt  }
0x4c: {  	_ =	shalt  }
0x4d: {  	_ =	shalt  }
0x4e: {  	_ =	shalt  }
0x4f: {  	_ =	shalt  }
0x50: {  	_ =	shalt  }
0x51: {  	_ =	shalt  }
0x52: {  	_ =	shalt  }
0x53: {  	_ =	shalt  }
0x54: {  	_ =	shalt  }
0x55: {  	_ =	shalt  }
0x56: {  	_ =	shalt  }
0x57: {  	_ =	shalt  }
0x58: {  	_ =	shalt  }
0x59: {  	_ =	shalt  }
0x5a: {  	_ =	shalt  }
0x5b: {  	_ =	shalt  }
0x5c: {  	_ =	shalt  }
0x5d: {  	_ =	shalt  }
0x5e: {  	_ =	shalt  }
0x5f: {  	_ =	shalt  }
0x60: {  	_ =	shalt  }
0x61: {  	_ =	shalt  }
0x62: {  	_ =	shalt  }
0x63: {  	_ =	shalt  }
0x64: {  	_ =	shalt  }
0x65: {  	_ =	shalt  }
0x66: {  	_ =	shalt  }
0x67: {  	_ =	shalt  }
0x68: {  	_ =	shalt  }
0x69: {  	_ =	shalt  }
0x6a: {  	_ =	shalt  }
0x6b: {  	_ =	shalt  }
0x6c: {  	_ =	shalt  }
0x6d: {  	_ =	shalt  }
0x6e: {  	_ =	shalt  }
0x6f: {  	_ =	shalt  }
0x70: {  	_ =	shalt  }
0x71: {  	_ =	shalt  }
0x72: {  	_ =	shalt  }
0x73: {  	_ =	shalt  }
0x74: {  	_ =	shalt  }
0x75: {  	_ =	shalt  }
0x76: {  	_ =	shalt  }
0x77: {  	_ =	shalt  }
0x78: {  	_ =	shalt  }
0x79: {  	_ =	shalt  }
0x7a: {  	_ =	shalt  }
0x7b: {  	_ =	shalt  }
0x7c: {  	_ =	shalt  }
0x7d: {  	_ =	shalt  }
0x7e: {  	_ =	shalt  }
0x7f: {  	_ =	shalt  }
0x80: {  	_ =	shalt  }
0x81: {  	_ =	shalt  }
0x82: {  	_ =	shalt  }
0x83: {  	_ =	shalt  }
0x84: {  	_ =	shalt  }
0x85: {  	_ =	shalt  }
0x86: {  	_ =	shalt  }
0x87: {  	_ =	shalt  }
.Lfunc_end0:
.L_simem_size_0:
called_computation_lowered:
.L_overlay_start_0:
0x88: {  	s2 =	sld [smem:$0x3FD9]  }
0x89: {  	s3 =	sld [smem:$0x3FFE];
	_ =	sdelay $0x1  }
0x8a: {  	s1 =	srdreg.scid  }
0x8b: {  	s0 =	sand.u32 $0x1, s1  }
0x8c: {  	s18 =	sshll.u32 s0, $0xA;
	s2 =	sadd.s32 s3, s2  }
0x8d: {  	s3 =	sadd.s32 s2, s18  }
0x8e: {  	[smem:$0x3FC6] =	sst s3  }
0x8f: {  	_ = 	snop  }
0x90: {  	s3 =	sld [smem:$0x3FD0];
	(tm) =	ssettm $0x1  }
0x91: {  	s4 =	sld [smem:$0x3FFB];
	_ =	sdelay $0x3  }
0x92: {  	_ =	strace s4  }
0x93: {  	s4 =	sld [smem:$0x3FFC];
	_ =	sdelay $0x3  }
0x94: {  	_ =	strace s4  }
0x95: {  	s4 =	sld [smem:$0x3FFD];
	_ =	sdelay $0x3  }
0x96: {  	_ =	strace s4  }
0x97: {  	_ =	strace $0x8FFFFFFF  }
0x98: {  	s19 =	sld [smem:$0x3FDB];
	_ =	sdelay $0x1  }
0x99: {  	s5 =	simm.s32 $_scs_section_size  }
0x9a: {  	s6 =	simm.s32 $_size__tile_overlayer_lowered;
	s7 =	simm.s32 $_tile_overlayer_lowered  }
0x9b: {  	s22 =	simm.s32 $0x1BFF;
	s21 =	sshll.u32 s7, $0x1;
	s4 =	sadd.s32 s5, s19  }
0x9c: {  	s8 =	simm.s32 $0x0;
	s20 =	sshll.u32 s6, $0x1;
	s6 =	sadd.s32 s21, s4  }
0x9d: {  	[timem:s8], [sflag:s22] =	dma.local [hbm:s6], s20  }
0x9e: {  	_ =	swait.ge [sflag:s22], s20  }
0x9f: {  	s5 =	ssub.s32 $0x0, s20;
	[sflag:s22] =	ssyncset.done $0x0  }
0xa0: {  	[sflag:s22] =	ssyncadd.s32 s5;
	_ =	sdelay $0x1  }
0xa1: {  	s23 =	simm.s32 $0x1B8B  }
0xa2: {  	_ =	swait.ge [sflag:s23], $0x1  }
0xa3: {  	[sflag:s23] =	ssyncset.done $0x0  }
0xa4: {  	s25 =	simm.s32 $0x1B8E;
	s24 =	sld [smem:$0x3FFE];
	[sflag:s23] =	ssyncadd.s32 $0xFFFFFFFF  }
0xa5: {  	s26 =	simm.s32 $execute0_lowered;
	[smem:$0x3FD2] =	sst s25  }
0xa6: {  	s6 =	sshll.u32 s26, $0x1;
	_ =	strace $0x80000046;
	[dreg:$0x1] =	wrdreg $0xFFFFFFFF  }
0xa7: {  	s28 =	simm.s32 $_size_execute0_lowered;
	s4 =	sadd.s32 s4, s6;
	[dreg:$0x0] =	wrdreg $0x0  }
0xa8: {  	s6 =	sshll.u32 s28, $0x1;
	[dreg:$0x2] =	wrdreg s4  }
0xa9: {  	[dreg:$0x3] =	wrdreg s6  }
0xaa: {  	[dreg:$0x4] =	wrdreg $0xC0  }
0xab: {  	_ =	task [dreg:s8], $0x5FFFF  }
0xac: {  	[dreg:$0x1] =	wrdreg $0xFFFFFFFF  }
0xad: {  	[dreg:$0x0] =	wrdreg $0x60  }
0xae: {  	[dreg:$0x2] =	wrdreg s24  }
0xaf: {  	s2 =	sadd.s32 $0x800, s2;
	[dreg:$0x3] =	wrdreg s3  }
0xb0: {  	[dreg:$0x4] =	wrdreg s2  }
0xb1: {  	[dreg:$0x5] =	wrdreg $0x9  }
0xb2: {  	_ =	task.clear_ibuf [dreg:s8], $0x6FFFF;
	_ =	strace $0x90000046  }
0xb3: {  	s29 =	simm.s32 $0x9;
	_ =	strace $0x80000048  }
0xb4: {  	_ =	swait.ge [sflag:s29], $0x1  }
0xb5: {  	[sflag:s29] =	ssyncadd.s32 $0xFFFFFFFF  }
0xb6: {  	_ =	strace $0x90000048  }
0xb7: {  	_ =	sfence  }
0xb8: {  	s30 =	sld [smem:$0x0];
	_ =	sdelay $0x2  }
0xb9: {  	s31 =	sshll.u32 s1, $0xD;
	s1 =	sshrl.u32 s1, $0x2  }
0xba: {  	s3 =	sand.u32 $0x4000, s31;
	s1 =	sadd.s32 s1, s30  }
0xbb: {  	s0 =	sor.u32 s3, s0;
	s1 =	sshll.u32 s1, $0x11  }
0xbc: {  	s0 =	sor.u32 s1, s0  }
0xbd: {  	s0 =	sadd.s32 $0x8F2B, s0  }
0xbe: {  	[sflag:s0] =	ssyncadd.remote.s32 $0x1  }
0xbf: {  	_ =	sfence.sel $0xFFFF  }
0xc0: {  	[dreg:$0x0] =	wrdreg $0xFFFFFFFF;
	(pc) =	sbr.abs _section_cstart, $3  }
0xc1: {  	[dreg:$0x1] =	wrdreg $0xFFFFFFFF  }
0xc2: {  	_ =	task.clear_ibuf [dreg:s8], $0x2FFFF;
	_ =	strace $0x9FFFFFFF  }
0xc3: {  	(tm) =	ssettm $0x7FFFFFFF  }
tec
execute0_lowered:
.L_overlay_start_1:
0x0: {  	(tag) =	ssettag $0x1  }
0x1: {  	s0 =	rddreg [dreg:$0x0]  }
0x2: {  	s2 =	rddreg [dreg:$0x2];
	s3 =	simm.s32 $0x0  }
0x3: {  	s1 =	srdreg.scid;
	s9 =	stileid.u32;
	s12 =	simm.s32 $0x2  }
0x4: {  	s13 =	simm.s32 $0x6AA8;
	s15 =	simm.s32 $0x3;
	s16 =	simm.s32 $0x80  }
0x5: {  	s18 =	simm.s32 $0xBE8;
	s25 =	simm.s32 $0x5F8;
	s28 =	simm.s32 $0x678  }
0x6: {  	s29 =	simm.s32 $0x1FE8;
	s30 =	simm.s32 $0x6F8;
	s31 =	simm.s32 $0x23E8  }
0x7: {  	s11 =	simm.s32 $0x1;
	s14 =	simm.s32 $0x2B28;
	s17 =	simm.s32 $0x0  }
0x8: {  	[smem:$0x7FF] =	sst s3;
	s1 =	sand.u32 $0x1, s1;
	s6 =	sadd.s32 $0x800800, s0  }
0x9: {  	s5 =	sadd.s32 $0x800, s0;
	s8 =	sshll.u32 s9, $0xF;
	s0 =	sadd.s32 $0x8807FE, s0  }
.Ltmp0:
0xa: {  	v0 =	vlaneseq.u32;
	s10 =	sshllo.u32 s9, $0x1;
	s4 =	ssub.s32 $0x2, s1;
	(pc) =	sbr.rel .LBB2_1-.Ltmp0, $4  }
0xb: {  	v3 =	vimm.s32 $0x0;
	v4 =	vimm.s32 $0x8;
	v5 =	vimm.s32 $0x9;
	_ =	strace $0x80000047;
	[dreg:$0x4] =	wrdreg s0;
	s7 =	sshrl.u32 s4, $0x1  }
0xc: {  	v6 =	vimm.s32 $0xA;
	v7 =	vimm.s32 $0xB;
	v8 =	vimm.s32 $0xC;
	p0 =	sne.s32 s1, $0x0;
	s0 =	simm.s32 $0x68;
	s4 =	ssub.s32 s4, s7  }
0xd: {  	v9 =	vimm.s32 $0xD;
	v10 =	vimm.s32 $0xE;
	v1 =	vshrl.u32 v0, $0x3;
	s7 =	sshll.u32 s9, $0x1;
	s9 =	simm.s32 $0x27E8;
	s26 =	smax.u32 s4, $0x1  }
0xe: {  	v11 =	vimm.s32 $0xF;
	v2 =	vand.u32 $0x7, v0;
	v1 =	vmul.u32 $0x8, v1;
	s4 =	simm.s32 $0x778;
	[dreg:$0x5] =	wrdreg s26;
	s26 =	simm.s32 $0x1BE8  }
.LBB2_23:
0xf: {  	s17 =	rddreg [dreg:$0x6]  }
0x10: {  	s1 =	rddreg [dreg:$0x5];
	s17 =	sadd.s32 $0x1, s17  }
0x11: {  	p1 =	sne.s32 s17, s1  }
.Ltmp1:
0x12: {  	_ = 	snop;
	(pc) =	sbr.rel @!p1 .LBB2_24-.Ltmp1, $1  }
0x13: {  	_ =	sdelay $0x3  }
.LBB2_1:
.Ltmp2:
0x14: {  	(pc) =	sbr.rel @p0 .LBB2_5-.Ltmp2, $2  }
0x15: {  	_ =	sdelay $0x2  }
0x16: {  	[dreg:$0x6] =	wrdreg s17;
	s1 =	simm.s32 $0x0;
	s17 =	simm.s32 $0x0  }
.LBB2_2:
0x17: {  	s17 =	sshll.u32 s1, $0xA  }
0x18: {  	s17 =	sadd.s32 s8, s17  }
0x19: {  	s21 =	simm.s32 $0x0;
	s19 =	simm.s32 $0x4AA8;
	s20 =	sadd.s32 s6, s17  }
0x1a: {  	[tilespmem:s19], [sflag:$0x2] =	stream.linear.gather [hbm4b:s20+s21], $0x2000, $0x38;
	[tilespmem:$0x8AB8] =	vst v63  }
0x1b: {  	v12 =	vmov s21;
	_ =	swait.ge [sflag:s12], $0x2000  }
0x1c: {  	v12 =	vshll.u32 v12, $0x3;
	[sflag:s12] =	ssyncset.done $0x0  }
0x1d: {  	v13 =	vor.u32 v1, v12;
	[sflag:s12] =	ssyncadd.s32 $0xFFFFE000  }
0x1e: {  	s20 =	simm.s32 $0x2;
	v13 =	vor.u32 v2, v13;
	v12 =	vld [tilespmem:s19+$0x0]  }
.LBB2_3:
0x1f: {  	p1 =	sne.s32 s20, $0x3FE  }
.Ltmp3:
0x20: {  	_ = 	snop;
	(pc) =	sbr.rel @p1 .LBB2_3-.Ltmp3, $4  }
0x21: {  	v14 =	vmov s20  }
0x22: {  	v14 =	vshll.u32 v14, $0x3  }
0x23: {  	s19 =	sadd.s32 $0x10, s19;
	v14 =	vor.u32 v1, v14;
	[tilespmem:v13+s13+$0x0] =	vst.idx.msk $0xffff, v12  }
0x24: {  	s20 =	sadd.s32 $0x2, s20;
	v13 =	vor.u32 v2, v14;
	v12 =	vld [tilespmem:s19+$0x0]  }
0x25: {  	_ =	sdelay $0x2  }
0x26: {  	s1 =	sadd.s32 $0x1, s1  }
0x27: {  	s17 =	sadd.s32 s17, s2;
	p1 =	seq.s32 s1, $0x20;
	[tilespmem:v13+s13+$0x0] =	vst.idx.msk $0xffff, v12  }
0x28: {  	[hbm4b:s17+s3] =	stream.linear.scatter [tilespmem:s13], [sflag:$0x2], $0x2000, $0x38;
	[tilespmem:$0x8AB8] =	vst v63  }
.Ltmp4:
0x29: {  	_ = 	snop;
	(pc) =	sbr.rel @!p1 .LBB2_2-.Ltmp4, $4  }
.Ltmp5:
0x2a: {  	_ = 	snop;
	(pc) =	sbr.rel @p1 .LBB2_8-.Ltmp5, $4  }
0x2b: {  	_ =	swait.ge [sflag:s12], $0x2000  }
0x2c: {  	[sflag:s12] =	ssyncset.done $0x0  }
0x2d: {  	[sflag:s12] =	ssyncadd.s32 $0xFFFFE000  }
0x2e: {  	_ = 	snop  }
.LBB2_5:
0x2f: {  	s1 =	sshll.u32 s17, $0xA  }
0x30: {  	s1 =	sadd.s32 s8, s1  }
0x31: {  	s21 =	simm.s32 $0x0;
	s19 =	simm.s32 $0x4AA8;
	s20 =	sadd.s32 s6, s1  }
0x32: {  	[tilespmem:s19], [sflag:$0x2] =	stream.linear.gather [hbm4b:s20+s21], $0x2000, $0x38;
	[tilespmem:$0x8AB8] =	vst v63  }
0x33: {  	v12 =	vmov s21;
	_ =	swait.ge [sflag:s12], $0x2000  }
0x34: {  	v12 =	vshll.u32 v12, $0x3;
	[sflag:s12] =	ssyncset.done $0x0  }
0x35: {  	v13 =	vor.u32 v1, v12;
	[sflag:s12] =	ssyncadd.s32 $0xFFFFE000  }
0x36: {  	s20 =	simm.s32 $0x2;
	v13 =	vor.u32 v2, v13;
	v12 =	vld [tilespmem:s19+$0x0]  }
.LBB2_6:
0x37: {  	p1 =	sne.s32 s20, $0x3FE  }
.Ltmp6:
0x38: {  	_ = 	snop;
	(pc) =	sbr.rel @p1 .LBB2_6-.Ltmp6, $4  }
0x39: {  	v14 =	vmov s20  }
0x3a: {  	v14 =	vshll.u32 v14, $0x3  }
0x3b: {  	s19 =	sadd.s32 $0x10, s19;
	v14 =	vor.u32 v1, v14;
	[tilespmem:v13+s13+$0x0] =	vst.idx.msk $0xffff, v12  }
0x3c: {  	s20 =	sadd.s32 $0x2, s20;
	v13 =	vor.u32 v2, v14;
	v12 =	vld [tilespmem:s19+$0x0]  }
0x3d: {  	_ =	sdelay $0x1  }
0x3e: {  	s17 =	sadd.s32 $0x1, s17  }
0x3f: {  	s1 =	sadd.s32 s1, s2;
	p1 =	sne.s32 s17, $0x20  }
.Ltmp7:
0x40: {  	s1 =	sadd.s32 $0x80000, s1;
	[tilespmem:v13+s13+$0x0] =	vst.idx.msk $0xffff, v12;
	(pc) =	sbr.rel @p1 .LBB2_5-.Ltmp7, $4  }
0x41: {  	[hbm4b:s1+s3] =	stream.linear.scatter [tilespmem:s13], [sflag:$0x2], $0x2000, $0x38;
	[tilespmem:$0x8AB8] =	vst v63  }
0x42: {  	_ =	swait.ge [sflag:s12], $0x2000  }
0x43: {  	[sflag:s12] =	ssyncset.done $0x0  }
0x44: {  	[sflag:s12] =	ssyncadd.s32 $0xFFFFE000  }
.LBB2_8:
0x45: {  	[bflag:$0x0] =	sbarrier.arrive $0xFFFF  }
0x46: {  	s1 =	simm.s32 $0x0;
	s19 =	simm.s32 $0x8AA8;
	[tilespmem:$0x3E8] =	vst v3;
	s17 =	rddreg [dreg:$0x4]  }
0x47: {  	[tilespmem:s19], [sflag:$0x2] =	stream.linear.gather [hbm4b:s17+s1], $0x10, $0x38;
	[tilespmem:$0x8AB8] =	vst v63  }
0x48: {  	_ =	swait.ge [sflag:s12], $0x10  }
0x49: {  	[sflag:s12] =	ssyncset.done $0x0  }
0x4a: {  	[sflag:s12] =	ssyncadd.s32 $0xFFFFFFF0  }
0x4b: {  	v12 =	vld.idx.msk [tilespmem:v4+s19+$0x0], $0xffff  }
0x4c: {  	v13 =	vld.idx.msk [tilespmem:v5+s19+$0x0], $0xffff  }
0x4d: {  	v14 =	vld.idx.msk [tilespmem:v6+s19+$0x0], $0xffff  }
.Ltmp8:
0x4e: {  	v15 =	vld.idx.msk [tilespmem:v7+s19+$0x0], $0xffff;
	(pc) =	sbr.rel @p0 .LBB2_16-.Ltmp8, $4  }
.Ltmp9:
0x4f: {  	v16 =	vld.idx.msk [tilespmem:v8+s19+$0x0], $0xffff;
	(pc) =	sbr.rel @!p0 .LBB2_9-.Ltmp9, $4  }
0x50: {  	v17 =	vld.idx.msk [tilespmem:v9+s19+$0x0], $0xffff  }
0x51: {  	v18 =	vld.idx.msk [tilespmem:v10+s19+$0x0], $0xffff  }
0x52: {  	v19 =	vld.idx.msk [tilespmem:v11+s19+$0x0], $0xffff  }
0x53: {  	_ = 	snop  }
.LBB2_15:
0x54: {  	s1 =	sadd.s32 $0x1, s1  }
0x55: {  	p1 =	seq.s32 s1, $0x20  }
.Ltmp10:
0x56: {  	_ = 	snop;
	(pc) =	sbr.rel @p1 .LBB2_23-.Ltmp10, $1  }
0x57: {  	_ =	sdelay $0x3  }
.LBB2_9:
0x58: {  	s17 =	sshll.u32 s1, $0x5  }
0x59: {  	s17 =	sor.u32 s7, s17  }
0x5a: {  	p1 =	sgt.u32 s17, $0x3E7  }
.Ltmp11:
0x5b: {  	_ = 	snop;
	(pc) =	sbr.rel @p1 .LBB2_15-.Ltmp11, $1  }
0x5c: {  	_ =	sdelay $0x3  }
0x5d: {  	s17 =	smul.u32 $0x3E8, s17;
	_ =	sdelay $0x1  }
0x5e: {  	s19 =	sshrl.u32 s17, $0x3  }
0x5f: {  	s20 =	sadd.s32 s5, s19;
	s19 =	simm.s32 $0x0  }
0x60: {  	[tilespmem:s19], [sflag:$0x3] =	stream.linear.gather [hbm4b:s20+s19], $0x3E8, $0x38;
	[tilespmem:$0x8AB8] =	vst v63  }
0x61: {  	_ =	swait.ge [sflag:s15], $0x3E8  }
0x62: {  	[sflag:s15] =	ssyncset.done $0x0  }
0x63: {  	s20 =	simm.s32 $0x0;
	[sflag:s15] =	ssyncadd.s32 $0xFFFFFC18  }
0x64: {  	v21 =	vld [tilespmem:s20+$0x0];
	_ =	sdelay $0x2  }
0x65: {  	v20 =	vor.u32 s17, v0  }
0x66: {  	v22 =	vadd.s32 s19, v20;
	s21 =	sand.u32 $0xE00, s19  }
0x67: {  	s22 =	sand.u32 $0x70, s19;
	v22 =	vand.u32 $0x7FFFF, v22;
	s21 =	sshrl.u32 s21, $0x2;
	vm0 =	vlt.s32 v21, $0x7FFFF  }
0x68: {  	s24 =	sor.u32 s22, s21;
	v21 =	vsel vm0, v21, v22  }
0x69: {  	s23 =	simm.s32 $0x10;
	s21 =	simm.s32 $0x40;
	s22 =	simm.s32 $0x80;
	[tilespmem:s24+$0x3F8] =	vst v21;
	v21 =	vsel vm0, $0x1, v3  }
.LBB2_11:
0x6a: {  	p1 =	sne.s32 s22, $0xF80;
	s19 =	sadd.s32 $0x10, s19  }
0x6b: {  	v22 =	vld [tilespmem:s23+$0x0];
	[tilespmem:s20+$0x7F8] =	vst v21;
	s24 =	smov.u32 s22;
	s22 =	sadd.s32 $0x40, s22;
	s20 =	smov.u32 s23  }
0x6c: {  	_ =	sdelay $0x1  }
.Ltmp12:
0x6d: {  	(pc) =	sbr.rel @p1 .LBB2_11-.Ltmp12, $4  }
0x6e: {  	s23 =	sand.u32 $0xE00, s21;
	v21 =	vadd.s32 s19, v20;
	s21 =	smov.u32 s24  }
0x6f: {  	s24 =	sand.u32 $0x70, s19;
	s23 =	sshrl.u32 s23, $0x2;
	v21 =	vand.u32 $0x7FFFF, v21;
	vm0 =	vlt.s32 v22, $0x7FFFF  }
0x70: {  	s24 =	sor.u32 s24, s23;
	v21 =	vsel vm0, v22, v21  }
0x71: {  	s23 =	sshra.s32 s21, $0x2;
	[tilespmem:s24+$0x3F8] =	vst v21;
	v21 =	vsel vm0, $0x1, v3  }
0x72: {  	v22 =	vld [tilespmem:s23+$0x0];
	_ =	sdelay $0x2  }
0x73: {  	s19 =	sadd.s32 $0x10, s19  }
0x74: {  	s21 =	sand.u32 $0xE00, s21;
	v20 =	vadd.s32 s19, v20  }
0x75: {  	s19 =	sand.u32 $0x70, s19;
	s21 =	sshrl.u32 s21, $0x2;
	v20 =	vand.u32 $0x7FFFF, v20;
	vm0 =	vlt.s32 v22, $0x7FFFF  }
0x76: {  	[tilespmem:s20+$0x7F8] =	vst v21;
	s19 =	sor.u32 s19, s21;
	v20 =	vsel vm0, v22, v20  }
0x77: {  	[tilespmem:s19+$0x3F8] =	vst v20;
	v20 =	vsel vm0, $0x1, v3  }
0x78: {  	s20 =	simm.s32 $0x3F8;
	[tilespmem:s23+$0x7F8] =	vst v20  }
0x79: {  	[tilespmem:s18], [sflag:$0x1] =	stream.indirect.gather [hbm4b:s2+s16], $0x8, s20, s16, $0xb8;
	[tilespmem:$0x8AB8] =	vst v63  }
0x7a: {  	s22 =	simm.s32 $0xFE8;
	s21 =	simm.s32 $0x478  }
0x7b: {  	[tilespmem:s22], [sflag:$0x1] =	stream.indirect.gather [hbm4b:s2+s16], $0x8, s21, s16, $0xb8;
	[tilespmem:$0x8AB8] =	vst v63  }
0x7c: {  	s24 =	simm.s32 $0x13E8;
	s23 =	simm.s32 $0x4F8  }
0x7d: {  	[tilespmem:s24], [sflag:$0x1] =	stream.indirect.gather [hbm4b:s2+s16], $0x8, s23, s16, $0xb8;
	[tilespmem:$0x8AB8] =	vst v63  }
0x7e: {  	s21 =	simm.s32 $0x578;
	s22 =	simm.s32 $0x17E8  }
0x7f: {  	[tilespmem:s22], [sflag:$0x1] =	stream.indirect.gather [hbm4b:s2+s16], $0x8, s21, s16, $0xb8;
	[tilespmem:$0x8AB8] =	vst v63  }
0x80: {  	_ = 	snop  }
0x81: {  	[tilespmem:s26], [sflag:$0x1] =	stream.indirect.gather [hbm4b:s2+s16], $0x8, s25, s16, $0xb8;
	[tilespmem:$0x8AB8] =	vst v63  }
0x82: {  	_ = 	snop  }
0x83: {  	[tilespmem:s29], [sflag:$0x1] =	stream.indirect.gather [hbm4b:s2+s16], $0x8, s28, s16, $0xb8;
	[tilespmem:$0x8AB8] =	vst v63  }
0x84: {  	_ = 	snop  }
0x85: {  	[tilespmem:s31], [sflag:$0x1] =	stream.indirect.gather [hbm4b:s2+s16], $0x8, s30, s16, $0xb8;
	[tilespmem:$0x8AB8] =	vst v63  }
0x86: {  	_ = 	snop  }
0x87: {  	[tilespmem:s9], [sflag:$0x1] =	stream.indirect.gather [hbm4b:s2+s0], $0x8, s4, s0, $0xb8;
	[tilespmem:$0x8AB8] =	vst v63  }
0x88: {  	_ =	swait.ge [sflag:s11], $0x400  }
0x89: {  	[sflag:s11] =	ssyncset.done $0x0  }
0x8a: {  	[sflag:s11] =	ssyncadd.s32 $0xFFFFFC00  }
0x8b: {  	_ =	swait.ge [sflag:s11], $0x400  }
0x8c: {  	[sflag:s11] =	ssyncset.done $0x0  }
0x8d: {  	[sflag:s11] =	ssyncadd.s32 $0xFFFFFC00  }
0x8e: {  	_ =	swait.ge [sflag:s11], $0x400  }
0x8f: {  	[sflag:s11] =	ssyncset.done $0x0  }
0x90: {  	[sflag:s11] =	ssyncadd.s32 $0xFFFFFC00  }
0x91: {  	_ =	swait.ge [sflag:s11], $0x400  }
0x92: {  	[sflag:s11] =	ssyncset.done $0x0  }
0x93: {  	[sflag:s11] =	ssyncadd.s32 $0xFFFFFC00  }
0x94: {  	_ =	swait.ge [sflag:s11], $0x400  }
0x95: {  	[sflag:s11] =	ssyncset.done $0x0  }
0x96: {  	[sflag:s11] =	ssyncadd.s32 $0xFFFFFC00  }
0x97: {  	_ =	swait.ge [sflag:s11], $0x400  }
0x98: {  	[sflag:s11] =	ssyncset.done $0x0  }
0x99: {  	s23 =	simm.s32 $0x0;
	[sflag:s11] =	ssyncadd.s32 $0xFFFFFC00  }
0x9a: {  	v20 =	vor.u32 s23, v0;
	_ =	swait.ge [sflag:s11], $0x400  }
0x9b: {  	vm1 =	vlt.u32 v20, $0x3E8;
	[sflag:s11] =	ssyncset.done $0x0  }
0x9c: {  	v20 =	vshll.u32 v20, $0x3;
	[sflag:s11] =	ssyncadd.s32 $0xFFFFFC00  }
0x9d: {  	_ =	swait.ge [sflag:s11], $0x340  }
0x9e: {  	[sflag:s11] =	ssyncset.done $0x0  }
0x9f: {  	s19 =	simm.s32 $0x7F8;
	[sflag:s11] =	ssyncadd.s32 $0xFFFFFCC0  }
0xa0: {  	v21 =	vld [tilespmem:s19+$0x0]  }
0xa1: {  	vm0 =	vmmov vm1;
	v22 =	vld.idx.msk [tilespmem:v20+s18+$0x0], vm1;
	_ =	sdelay $0x1  }
0xa2: {  	v23 =	vor.u32 $0x1, v20;
	_ =	sdelay $0x1  }
0xa3: {  	vm1 =	vgt.s32 v21, $0x0  }
0xa4: {  	v21 =	vsel vm1, v22, v12  }
0xa5: {  	[tilespmem:v20+s14+$0x0] =	vst.idx.msk vm0, v21  }
0xa6: {  	v21 =	vld.idx.msk [tilespmem:v23+s18+$0x0], vm0;
	_ =	sdelay $0x1  }
0xa7: {  	v22 =	vor.u32 $0x2, v20;
	_ =	sdelay $0x2  }
0xa8: {  	v21 =	vsel vm1, v21, v13  }
0xa9: {  	[tilespmem:v23+s14+$0x0] =	vst.idx.msk vm0, v21  }
0xaa: {  	v21 =	vld.idx.msk [tilespmem:v22+s18+$0x0], vm0;
	_ =	sdelay $0x1  }
0xab: {  	v23 =	vor.u32 $0x3, v20;
	_ =	sdelay $0x2  }
0xac: {  	v21 =	vsel vm1, v21, v14  }
0xad: {  	[tilespmem:v22+s14+$0x0] =	vst.idx.msk vm0, v21  }
0xae: {  	v21 =	vld.idx.msk [tilespmem:v23+s18+$0x0], vm0;
	_ =	sdelay $0x1  }
0xaf: {  	v22 =	vor.u32 $0x4, v20;
	_ =	sdelay $0x2  }
0xb0: {  	v21 =	vsel vm1, v21, v15  }
0xb1: {  	[tilespmem:v23+s14+$0x0] =	vst.idx.msk vm0, v21  }
0xb2: {  	v21 =	vld.idx.msk [tilespmem:v22+s18+$0x0], vm0;
	_ =	sdelay $0x1  }
0xb3: {  	v23 =	vor.u32 $0x5, v20;
	_ =	sdelay $0x2  }
0xb4: {  	v21 =	vsel vm1, v21, v16  }
0xb5: {  	[tilespmem:v22+s14+$0x0] =	vst.idx.msk vm0, v21  }
0xb6: {  	v21 =	vld.idx.msk [tilespmem:v23+s18+$0x0], vm0;
	_ =	sdelay $0x1  }
0xb7: {  	v22 =	vor.u32 $0x6, v20;
	_ =	sdelay $0x2  }
0xb8: {  	v21 =	vsel vm1, v21, v17  }
0xb9: {  	[tilespmem:v23+s14+$0x0] =	vst.idx.msk vm0, v21  }
0xba: {  	v23 =	vld.idx.msk [tilespmem:v22+s18+$0x0], vm0;
	_ =	sdelay $0x1  }
0xbb: {  	v21 =	vor.u32 $0x7, v20;
	_ =	sdelay $0x2  }
0xbc: {  	v20 =	vsel vm1, v23, v18  }
0xbd: {  	[tilespmem:v22+s14+$0x0] =	vst.idx.msk vm0, v20  }
0xbe: {  	v22 =	vld.idx.msk [tilespmem:v21+s18+$0x0], vm0;
	_ =	sdelay $0x1  }
0xbf: {  	s24 =	simm.s32 $0x10  }
0xc0: {  	v20 =	vor.u32 s24, v0  }
0xc1: {  	vm2 =	vlt.u32 v20, $0x3E8;
	v20 =	vshll.u32 v20, $0x3  }
0xc2: {  	s20 =	simm.s32 $0x20;
	v22 =	vsel vm1, v22, v19  }
.LBB2_13:
0xc3: {  	p1 =	sne.s32 s20, $0x3E0  }
0xc4: {  	[tilespmem:v21+s14+$0x0] =	vst.idx.msk vm0, v22;
	s19 =	sadd.s32 $0x10, s19;
	vm0 =	vmmov vm2;
	s21 =	smov.u32 s20;
	s20 =	sadd.s32 $0x10, s20  }
0xc5: {  	v21 =	vld [tilespmem:s19+$0x0]  }
0xc6: {  	v22 =	vld.idx.msk [tilespmem:v20+s18+$0x0], vm2;
	_ =	sdelay $0x2  }
0xc7: {  	v23 =	vor.u32 $0x1, v20;
	_ =	sdelay $0x1  }
0xc8: {  	vm1 =	vgt.s32 v21, $0x0  }
0xc9: {  	v21 =	vsel vm1, v22, v12  }
0xca: {  	[tilespmem:v20+s14+$0x0] =	vst.idx.msk vm2, v21  }
0xcb: {  	v21 =	vld.idx.msk [tilespmem:v23+s18+$0x0], vm2;
	_ =	sdelay $0x2  }
0xcc: {  	v22 =	vor.u32 $0x2, v20;
	_ =	sdelay $0x2  }
0xcd: {  	v21 =	vsel vm1, v21, v13  }
0xce: {  	[tilespmem:v23+s14+$0x0] =	vst.idx.msk vm2, v21  }
0xcf: {  	v21 =	vld.idx.msk [tilespmem:v22+s18+$0x0], vm2;
	_ =	sdelay $0x2  }
0xd0: {  	v23 =	vor.u32 $0x3, v20;
	_ =	sdelay $0x2  }
0xd1: {  	v21 =	vsel vm1, v21, v14  }
0xd2: {  	[tilespmem:v22+s14+$0x0] =	vst.idx.msk vm2, v21  }
0xd3: {  	v21 =	vld.idx.msk [tilespmem:v23+s18+$0x0], vm2;
	_ =	sdelay $0x2  }
0xd4: {  	v22 =	vor.u32 $0x4, v20;
	_ =	sdelay $0x2  }
0xd5: {  	v21 =	vsel vm1, v21, v15  }
0xd6: {  	[tilespmem:v23+s14+$0x0] =	vst.idx.msk vm0, v21  }
0xd7: {  	v21 =	vld.idx.msk [tilespmem:v22+s18+$0x0], vm0;
	_ =	sdelay $0x2  }
0xd8: {  	v23 =	vor.u32 $0x5, v20;
	_ =	sdelay $0x2  }
0xd9: {  	v21 =	vsel vm1, v21, v16  }
0xda: {  	[tilespmem:v22+s14+$0x0] =	vst.idx.msk vm0, v21  }
0xdb: {  	v21 =	vld.idx.msk [tilespmem:v23+s18+$0x0], vm0;
	_ =	sdelay $0x2  }
0xdc: {  	v22 =	vor.u32 $0x6, v20;
	_ =	sdelay $0x2  }
0xdd: {  	v21 =	vsel vm1, v21, v17  }
0xde: {  	[tilespmem:v23+s14+$0x0] =	vst.idx.msk vm0, v21  }
0xdf: {  	v23 =	vld.idx.msk [tilespmem:v22+s18+$0x0], vm0;
	_ =	sdelay $0x2  }
0xe0: {  	v21 =	vor.u32 $0x7, v20;
	_ =	sdelay $0x2  }
0xe1: {  	v20 =	vsel vm1, v23, v18  }
0xe2: {  	[tilespmem:v22+s14+$0x0] =	vst.idx.msk vm0, v20  }
0xe3: {  	v22 =	vld.idx.msk [tilespmem:v21+s18+$0x0], vm0;
	_ =	sdelay $0x1  }
.Ltmp13:
0xe4: {  	v20 =	vor.u32 s21, v0;
	(pc) =	sbr.rel @p1 .LBB2_13-.Ltmp13, $3  }
0xe5: {  	vm2 =	vlt.u32 v20, $0x3E8  }
0xe6: {  	v20 =	vshll.u32 v20, $0x3;
	_ =	sdelay $0x1  }
0xe7: {  	v22 =	vsel vm1, v22, v19  }
0xe8: {  	_ =	sdelay $0x4  }
0xe9: {  	[tilespmem:v21+s14+$0x0] =	vst.idx.msk vm0, v22;
	s19 =	sadd.s32 $0x10, s19  }
0xea: {  	v21 =	vld [tilespmem:s19+$0x0]  }
0xeb: {  	v22 =	vld.idx.msk [tilespmem:v20+s18+$0x0], vm2;
	_ =	sdelay $0x1  }
0xec: {  	v23 =	vor.u32 $0x1, v20;
	_ =	sdelay $0x1  }
0xed: {  	vm1 =	vgt.s32 v21, $0x0  }
0xee: {  	v21 =	vsel vm1, v22, v12  }
0xef: {  	[tilespmem:v20+s14+$0x0] =	vst.idx.msk vm2, v21  }
0xf0: {  	v21 =	vld.idx.msk [tilespmem:v23+s18+$0x0], vm2;
	_ =	sdelay $0x1  }
0xf1: {  	v59 =	vor.u32 $0x2, v20;
	_ =	sdelay $0x2  }
0xf2: {  	v21 =	vsel vm1, v21, v13  }
0xf3: {  	[tilespmem:v23+s14+$0x0] =	vst.idx.msk vm2, v21  }
0xf4: {  	v21 =	vld.idx.msk [tilespmem:v59+s18+$0x0], vm2;
	_ =	sdelay $0x1  }
0xf5: {  	v60 =	vor.u32 $0x3, v20;
	_ =	sdelay $0x2  }
0xf6: {  	v21 =	vsel vm1, v21, v14  }
0xf7: {  	[tilespmem:v59+s14+$0x0] =	vst.idx.msk vm2, v21  }
0xf8: {  	v21 =	vld.idx.msk [tilespmem:v60+s18+$0x0], vm2;
	_ =	sdelay $0x1  }
0xf9: {  	v61 =	vor.u32 $0x4, v20;
	_ =	sdelay $0x2  }
0xfa: {  	v21 =	vsel vm1, v21, v15  }
0xfb: {  	[tilespmem:v60+s14+$0x0] =	vst.idx.msk vm2, v21  }
0xfc: {  	v21 =	vld.idx.msk [tilespmem:v61+s18+$0x0], vm2;
	_ =	sdelay $0x1  }
0xfd: {  	v62 =	vor.u32 $0x5, v20;
	_ =	sdelay $0x2  }
0xfe: {  	v21 =	vsel vm1, v21, v16  }
0xff: {  	[tilespmem:v61+s14+$0x0] =	vst.idx.msk vm2, v21  }
0x100: {  	v21 =	vld.idx.msk [tilespmem:v62+s18+$0x0], vm2;
	_ =	sdelay $0x1  }
0x101: {  	v63 =	vor.u32 $0x6, v20;
	_ =	sdelay $0x2  }
0x102: {  	v21 =	vsel vm1, v21, v17  }
0x103: {  	[tilespmem:v62+s14+$0x0] =	vst.idx.msk vm2, v21  }
0x104: {  	v21 =	vld.idx.msk [tilespmem:v63+s18+$0x0], vm2;
	_ =	sdelay $0x1  }
0x105: {  	v20 =	vor.u32 $0x7, v20;
	_ =	sdelay $0x2  }
0x106: {  	v21 =	vsel vm1, v21, v18  }
0x107: {  	[tilespmem:v63+s14+$0x0] =	vst.idx.msk vm2, v21  }
0x108: {  	v21 =	vld.idx.msk [tilespmem:v20+s18+$0x0], vm2;
	_ =	sdelay $0x4  }
0x109: {  	s24 =	rddreg [dreg:$0x1];
	v21 =	vsel vm1, v21, v19  }
.Ltmp14:
0x10a: {  	s17 =	sadd.s32 s24, s17;
	[tilespmem:v20+s14+$0x0] =	vst.idx.msk vm2, v21;
	(pc) =	sbr.rel .LBB2_15-.Ltmp14, $4  }
0x10b: {  	[hbm4b:s17+s3] =	stream.linear.scatter [tilespmem:s14], [sflag:$0x2], $0x1F40, $0x38;
	[tilespmem:$0x8AB8] =	vst v63  }
0x10c: {  	_ =	swait.ge [sflag:s12], $0x1F40  }
0x10d: {  	[sflag:s12] =	ssyncset.done $0x0  }
0x10e: {  	vm15 =	vmmov vm2;
	[sflag:s12] =	ssyncadd.s32 $0xFFFFE0C0  }
.LBB2_21:
0x10f: {  	_ =	sdelay $0x4  }
0x110: {  	[tilespmem:v21+s14+$0x0] =	vst.idx.msk vm0, v22;
	s19 =	sadd.s32 $0x10, s19  }
0x111: {  	v21 =	vld [tilespmem:s19+$0x0]  }
0x112: {  	v22 =	vld.idx.msk [tilespmem:v20+s18+$0x0], vm2;
	_ =	sdelay $0x1  }
0x113: {  	v23 =	vor.u32 $0x1, v20;
	_ =	sdelay $0x1  }
0x114: {  	vm1 =	vgt.s32 v21, $0x0  }
0x115: {  	v21 =	vsel vm1, v22, v12  }
0x116: {  	[tilespmem:v20+s14+$0x0] =	vst.idx.msk vm2, v21  }
0x117: {  	v21 =	vld.idx.msk [tilespmem:v23+s18+$0x0], vm2;
	_ =	sdelay $0x1  }
0x118: {  	v59 =	vor.u32 $0x2, v20;
	_ =	sdelay $0x2  }
0x119: {  	v21 =	vsel vm1, v21, v13  }
0x11a: {  	[tilespmem:v23+s14+$0x0] =	vst.idx.msk vm2, v21  }
0x11b: {  	v21 =	vld.idx.msk [tilespmem:v59+s18+$0x0], vm2;
	_ =	sdelay $0x1  }
0x11c: {  	v60 =	vor.u32 $0x3, v20;
	_ =	sdelay $0x2  }
0x11d: {  	v21 =	vsel vm1, v21, v14  }
0x11e: {  	[tilespmem:v59+s14+$0x0] =	vst.idx.msk vm2, v21  }
0x11f: {  	v21 =	vld.idx.msk [tilespmem:v60+s18+$0x0], vm2;
	_ =	sdelay $0x1  }
0x120: {  	v61 =	vor.u32 $0x4, v20;
	_ =	sdelay $0x2  }
0x121: {  	v21 =	vsel vm1, v21, v15  }
0x122: {  	[tilespmem:v60+s14+$0x0] =	vst.idx.msk vm2, v21  }
0x123: {  	v21 =	vld.idx.msk [tilespmem:v61+s18+$0x0], vm2;
	_ =	sdelay $0x1  }
0x124: {  	v62 =	vor.u32 $0x5, v20;
	_ =	sdelay $0x2  }
0x125: {  	v21 =	vsel vm1, v21, v16  }
0x126: {  	[tilespmem:v61+s14+$0x0] =	vst.idx.msk vm2, v21  }
0x127: {  	v21 =	vld.idx.msk [tilespmem:v62+s18+$0x0], vm2;
	_ =	sdelay $0x1  }
0x128: {  	v63 =	vor.u32 $0x6, v20;
	_ =	sdelay $0x2  }
0x129: {  	v21 =	vsel vm1, v21, v17  }
0x12a: {  	[tilespmem:v62+s14+$0x0] =	vst.idx.msk vm2, v21  }
0x12b: {  	v21 =	vld.idx.msk [tilespmem:v63+s18+$0x0], vm2;
	_ =	sdelay $0x1  }
0x12c: {  	v20 =	vor.u32 $0x7, v20;
	_ =	sdelay $0x2  }
0x12d: {  	v21 =	vsel vm1, v21, v18  }
0x12e: {  	[tilespmem:v63+s14+$0x0] =	vst.idx.msk vm2, v21  }
0x12f: {  	v21 =	vld.idx.msk [tilespmem:v20+s18+$0x0], vm2;
	_ =	sdelay $0x4  }
0x130: {  	s24 =	rddreg [dreg:$0x1];
	v21 =	vsel vm1, v21, v19  }
0x131: {  	s17 =	sadd.s32 s24, s17;
	[tilespmem:v20+s14+$0x0] =	vst.idx.msk vm2, v21  }
0x132: {  	[hbm4b:s17+s3] =	stream.linear.scatter [tilespmem:s14], [sflag:$0x2], $0x1F40, $0x38;
	[tilespmem:$0x8AB8] =	vst v63  }
0x133: {  	_ =	swait.ge [sflag:s12], $0x1F40  }
0x134: {  	[sflag:s12] =	ssyncset.done $0x0  }
0x135: {  	vm15 =	vmmov vm2;
	[sflag:s12] =	ssyncadd.s32 $0xFFFFE0C0  }
.LBB2_22:
0x136: {  	s1 =	sadd.s32 $0x1, s1  }
0x137: {  	p1 =	sne.s32 s1, $0x20  }
.Ltmp15:
0x138: {  	_ = 	snop;
	(pc) =	sbr.rel @!p1 .LBB2_23-.Ltmp15, $1  }
0x139: {  	_ =	sdelay $0x3  }
.LBB2_16:
0x13a: {  	s17 =	sshll.u32 s1, $0x5  }
0x13b: {  	s17 =	sor.u32 s10, s17  }
0x13c: {  	p1 =	sgt.u32 s17, $0x3E7  }
.Ltmp16:
0x13d: {  	_ = 	snop;
	(pc) =	sbr.rel @p1 .LBB2_22-.Ltmp16, $1  }
0x13e: {  	_ =	sdelay $0x3  }
0x13f: {  	s17 =	smul.u32 $0x3E8, s17;
	_ =	sdelay $0x1  }
0x140: {  	s19 =	sshrl.u32 s17, $0x3  }
0x141: {  	s20 =	sadd.s32 s5, s19;
	s19 =	simm.s32 $0x0  }
0x142: {  	[tilespmem:s19], [sflag:$0x3] =	stream.linear.gather [hbm4b:s20+s19], $0x3E8, $0x38;
	[tilespmem:$0x8AB8] =	vst v63  }
0x143: {  	_ =	swait.ge [sflag:s15], $0x3E8  }
0x144: {  	[sflag:s15] =	ssyncset.done $0x0  }
0x145: {  	s20 =	simm.s32 $0x0;
	[sflag:s15] =	ssyncadd.s32 $0xFFFFFC18  }
0x146: {  	v20 =	vld [tilespmem:s20+$0x0];
	_ =	sdelay $0x2  }
0x147: {  	s21 =	sadd.s32 $0x0, s17  }
0x148: {  	v21 =	vadd.s32 s21, v0;
	s24 =	sand.u32 $0xE00, s19  }
0x149: {  	v21 =	vand.u32 $0x7FFFF, v21;
	s22 =	sand.u32 $0x70, s19;
	s21 =	sshrl.u32 s24, $0x2;
	vm0 =	vlt.s32 v20, $0x7FFFF  }
0x14a: {  	s24 =	sor.u32 s22, s21;
	v20 =	vsel vm0, v20, v21  }
0x14b: {  	s23 =	simm.s32 $0x10;
	s21 =	simm.s32 $0x40;
	s22 =	simm.s32 $0x80;
	[tilespmem:s24+$0x3F8] =	vst v20;
	v20 =	vsel vm0, $0x1, v3  }
.LBB2_18:
0x14c: {  	p1 =	sne.s32 s22, $0xF80;
	s19 =	sadd.s32 $0x10, s19  }
0x14d: {  	v21 =	vld [tilespmem:s23+$0x0];
	[tilespmem:s20+$0x7F8] =	vst v20;
	s24 =	smov.u32 s22;
	s22 =	sadd.s32 $0x40, s22;
	s20 =	smov.u32 s23  }
0x14e: {  	_ =	sdelay $0x1  }
.Ltmp17:
0x14f: {  	s23 =	sadd.s32 s17, s19;
	(pc) =	sbr.rel @p1 .LBB2_18-.Ltmp17, $4  }
0x150: {  	v20 =	vadd.s32 s23, v0;
	s23 =	sand.u32 $0xE00, s21;
	s21 =	smov.u32 s24  }
0x151: {  	s24 =	sand.u32 $0x70, s19;
	v20 =	vand.u32 $0x7FFFF, v20;
	s23 =	sshrl.u32 s23, $0x2;
	vm0 =	vlt.s32 v21, $0x7FFFF  }
0x152: {  	s24 =	sor.u32 s24, s23;
	v20 =	vsel vm0, v21, v20  }
0x153: {  	s23 =	sshra.s32 s21, $0x2;
	[tilespmem:s24+$0x3F8] =	vst v20;
	v20 =	vsel vm0, $0x1, v3  }
0x154: {  	v21 =	vld [tilespmem:s23+$0x0];
	_ =	sdelay $0x1  }
0x155: {  	s19 =	sadd.s32 $0x10, s19  }
0x156: {  	s22 =	sadd.s32 s17, s19  }
0x157: {  	s21 =	sand.u32 $0xE00, s21;
	v22 =	vadd.s32 s22, v0  }
0x158: {  	s19 =	sand.u32 $0x70, s19;
	s21 =	sshrl.u32 s21, $0x2;
	v22 =	vand.u32 $0x7FFFF, v22;
	vm0 =	vlt.s32 v21, $0x7FFFF  }
0x159: {  	[tilespmem:s20+$0x7F8] =	vst v20;
	s19 =	sor.u32 s19, s21;
	v20 =	vsel vm0, v21, v22  }
0x15a: {  	[tilespmem:s19+$0x3F8] =	vst v20;
	v20 =	vsel vm0, $0x1, v3  }
0x15b: {  	s24 =	simm.s32 $0x3F8;
	s19 =	sadd.s32 $0x80000, s2;
	[tilespmem:s23+$0x7F8] =	vst v20  }
0x15c: {  	[tilespmem:s18], [sflag:$0x1] =	stream.indirect.gather [hbm4b:s19+s16], $0x8, s24, s16, $0xb8;
	[tilespmem:$0x8AB8] =	vst v63  }
0x15d: {  	s21 =	simm.s32 $0x478;
	s22 =	simm.s32 $0xFE8  }
0x15e: {  	[tilespmem:s22], [sflag:$0x1] =	stream.indirect.gather [hbm4b:s19+s16], $0x8, s21, s16, $0xb8;
	[tilespmem:$0x8AB8] =	vst v63  }
0x15f: {  	s23 =	simm.s32 $0x4F8;
	s24 =	simm.s32 $0x13E8  }
0x160: {  	[tilespmem:s24], [sflag:$0x1] =	stream.indirect.gather [hbm4b:s19+s16], $0x8, s23, s16, $0xb8;
	[tilespmem:$0x8AB8] =	vst v63  }
0x161: {  	s21 =	simm.s32 $0x578;
	s22 =	simm.s32 $0x17E8  }
0x162: {  	[tilespmem:s22], [sflag:$0x1] =	stream.indirect.gather [hbm4b:s19+s16], $0x8, s21, s16, $0xb8;
	[tilespmem:$0x8AB8] =	vst v63  }
0x163: {  	_ = 	snop  }
0x164: {  	[tilespmem:s26], [sflag:$0x1] =	stream.indirect.gather [hbm4b:s19+s16], $0x8, s25, s16, $0xb8;
	[tilespmem:$0x8AB8] =	vst v63  }
0x165: {  	_ = 	snop  }
0x166: {  	[tilespmem:s29], [sflag:$0x1] =	stream.indirect.gather [hbm4b:s19+s16], $0x8, s28, s16, $0xb8;
	[tilespmem:$0x8AB8] =	vst v63  }
0x167: {  	_ = 	snop  }
0x168: {  	[tilespmem:s31], [sflag:$0x1] =	stream.indirect.gather [hbm4b:s19+s16], $0x8, s30, s16, $0xb8;
	[tilespmem:$0x8AB8] =	vst v63  }
0x169: {  	_ = 	snop  }
0x16a: {  	[tilespmem:s9], [sflag:$0x1] =	stream.indirect.gather [hbm4b:s19+s0], $0x8, s4, s0, $0xb8;
	[tilespmem:$0x8AB8] =	vst v63  }
0x16b: {  	_ =	swait.ge [sflag:s11], $0x400  }
0x16c: {  	[sflag:s11] =	ssyncset.done $0x0  }
0x16d: {  	[sflag:s11] =	ssyncadd.s32 $0xFFFFFC00  }
0x16e: {  	_ =	swait.ge [sflag:s11], $0x400  }
0x16f: {  	[sflag:s11] =	ssyncset.done $0x0  }
0x170: {  	[sflag:s11] =	ssyncadd.s32 $0xFFFFFC00  }
0x171: {  	_ =	swait.ge [sflag:s11], $0x400  }
0x172: {  	[sflag:s11] =	ssyncset.done $0x0  }
0x173: {  	[sflag:s11] =	ssyncadd.s32 $0xFFFFFC00  }
0x174: {  	_ =	swait.ge [sflag:s11], $0x400  }
0x175: {  	[sflag:s11] =	ssyncset.done $0x0  }
0x176: {  	[sflag:s11] =	ssyncadd.s32 $0xFFFFFC00  }
0x177: {  	_ =	swait.ge [sflag:s11], $0x400  }
0x178: {  	[sflag:s11] =	ssyncset.done $0x0  }
0x179: {  	[sflag:s11] =	ssyncadd.s32 $0xFFFFFC00  }
0x17a: {  	_ =	swait.ge [sflag:s11], $0x400  }
0x17b: {  	[sflag:s11] =	ssyncset.done $0x0  }
0x17c: {  	s23 =	simm.s32 $0x0;
	[sflag:s11] =	ssyncadd.s32 $0xFFFFFC00  }
0x17d: {  	v20 =	vor.u32 s23, v0;
	_ =	swait.ge [sflag:s11], $0x400  }
0x17e: {  	vm1 =	vlt.u32 v20, $0x3E8;
	[sflag:s11] =	ssyncset.done $0x0  }
0x17f: {  	v20 =	vshll.u32 v20, $0x3;
	[sflag:s11] =	ssyncadd.s32 $0xFFFFFC00  }
0x180: {  	_ =	swait.ge [sflag:s11], $0x340  }
0x181: {  	[sflag:s11] =	ssyncset.done $0x0  }
0x182: {  	s19 =	simm.s32 $0x7F8;
	[sflag:s11] =	ssyncadd.s32 $0xFFFFFCC0  }
0x183: {  	v21 =	vld [tilespmem:s19+$0x0]  }
0x184: {  	vm0 =	vmmov vm1;
	v22 =	vld.idx.msk [tilespmem:v20+s18+$0x0], vm1;
	_ =	sdelay $0x1  }
0x185: {  	v23 =	vor.u32 $0x1, v20;
	_ =	sdelay $0x1  }
0x186: {  	vm1 =	vgt.s32 v21, $0x0  }
0x187: {  	v21 =	vsel vm1, v22, v12  }
0x188: {  	[tilespmem:v20+s14+$0x0] =	vst.idx.msk vm0, v21  }
0x189: {  	v21 =	vld.idx.msk [tilespmem:v23+s18+$0x0], vm0;
	_ =	sdelay $0x1  }
0x18a: {  	v22 =	vor.u32 $0x2, v20;
	_ =	sdelay $0x2  }
0x18b: {  	v21 =	vsel vm1, v21, v13  }
0x18c: {  	[tilespmem:v23+s14+$0x0] =	vst.idx.msk vm0, v21  }
0x18d: {  	v21 =	vld.idx.msk [tilespmem:v22+s18+$0x0], vm0;
	_ =	sdelay $0x1  }
0x18e: {  	v23 =	vor.u32 $0x3, v20;
	_ =	sdelay $0x2  }
0x18f: {  	v21 =	vsel vm1, v21, v14  }
0x190: {  	[tilespmem:v22+s14+$0x0] =	vst.idx.msk vm0, v21  }
0x191: {  	v21 =	vld.idx.msk [tilespmem:v23+s18+$0x0], vm0;
	_ =	sdelay $0x1  }
0x192: {  	v22 =	vor.u32 $0x4, v20;
	_ =	sdelay $0x2  }
0x193: {  	v21 =	vsel vm1, v21, v15  }
0x194: {  	[tilespmem:v23+s14+$0x0] =	vst.idx.msk vm0, v21  }
0x195: {  	v21 =	vld.idx.msk [tilespmem:v22+s18+$0x0], vm0;
	_ =	sdelay $0x1  }
0x196: {  	v23 =	vor.u32 $0x5, v20;
	_ =	sdelay $0x2  }
0x197: {  	v21 =	vsel vm1, v21, v16  }
0x198: {  	[tilespmem:v22+s14+$0x0] =	vst.idx.msk vm0, v21  }
0x199: {  	v21 =	vld.idx.msk [tilespmem:v23+s18+$0x0], vm0;
	_ =	sdelay $0x1  }
0x19a: {  	v22 =	vor.u32 $0x6, v20;
	_ =	sdelay $0x2  }
0x19b: {  	v21 =	vsel vm1, v21, v17  }
0x19c: {  	[tilespmem:v23+s14+$0x0] =	vst.idx.msk vm0, v21  }
0x19d: {  	v23 =	vld.idx.msk [tilespmem:v22+s18+$0x0], vm0;
	_ =	sdelay $0x1  }
0x19e: {  	v21 =	vor.u32 $0x7, v20;
	_ =	sdelay $0x2  }
0x19f: {  	v20 =	vsel vm1, v23, v18  }
0x1a0: {  	[tilespmem:v22+s14+$0x0] =	vst.idx.msk vm0, v20  }
0x1a1: {  	v22 =	vld.idx.msk [tilespmem:v21+s18+$0x0], vm0;
	_ =	sdelay $0x1  }
0x1a2: {  	s24 =	simm.s32 $0x10  }
0x1a3: {  	v20 =	vor.u32 s24, v0  }
0x1a4: {  	vm2 =	vlt.u32 v20, $0x3E8;
	v20 =	vshll.u32 v20, $0x3  }
0x1a5: {  	s20 =	simm.s32 $0x20;
	v22 =	vsel vm1, v22, v19  }
.LBB2_20:
0x1a6: {  	p1 =	sne.s32 s20, $0x3E0  }
0x1a7: {  	[tilespmem:v21+s14+$0x0] =	vst.idx.msk vm0, v22;
	s19 =	sadd.s32 $0x10, s19;
	vm0 =	vmmov vm2;
	s21 =	smov.u32 s20;
	s20 =	sadd.s32 $0x10, s20  }
0x1a8: {  	v21 =	vld [tilespmem:s19+$0x0]  }
0x1a9: {  	v22 =	vld.idx.msk [tilespmem:v20+s18+$0x0], vm2;
	_ =	sdelay $0x2  }
0x1aa: {  	v23 =	vor.u32 $0x1, v20;
	_ =	sdelay $0x1  }
0x1ab: {  	vm1 =	vgt.s32 v21, $0x0  }
0x1ac: {  	v21 =	vsel vm1, v22, v12  }
0x1ad: {  	[tilespmem:v20+s14+$0x0] =	vst.idx.msk vm2, v21  }
0x1ae: {  	v21 =	vld.idx.msk [tilespmem:v23+s18+$0x0], vm2;
	_ =	sdelay $0x2  }
0x1af: {  	v22 =	vor.u32 $0x2, v20;
	_ =	sdelay $0x2  }
0x1b0: {  	v21 =	vsel vm1, v21, v13  }
0x1b1: {  	[tilespmem:v23+s14+$0x0] =	vst.idx.msk vm2, v21  }
0x1b2: {  	v21 =	vld.idx.msk [tilespmem:v22+s18+$0x0], vm2;
	_ =	sdelay $0x2  }
0x1b3: {  	v23 =	vor.u32 $0x3, v20;
	_ =	sdelay $0x2  }
0x1b4: {  	v21 =	vsel vm1, v21, v14  }
0x1b5: {  	[tilespmem:v22+s14+$0x0] =	vst.idx.msk vm2, v21  }
0x1b6: {  	v21 =	vld.idx.msk [tilespmem:v23+s18+$0x0], vm2;
	_ =	sdelay $0x2  }
0x1b7: {  	v22 =	vor.u32 $0x4, v20;
	_ =	sdelay $0x2  }
0x1b8: {  	v21 =	vsel vm1, v21, v15  }
0x1b9: {  	[tilespmem:v23+s14+$0x0] =	vst.idx.msk vm0, v21  }
0x1ba: {  	v21 =	vld.idx.msk [tilespmem:v22+s18+$0x0], vm0;
	_ =	sdelay $0x2  }
0x1bb: {  	v23 =	vor.u32 $0x5, v20;
	_ =	sdelay $0x2  }
0x1bc: {  	v21 =	vsel vm1, v21, v16  }
0x1bd: {  	[tilespmem:v22+s14+$0x0] =	vst.idx.msk vm0, v21  }
0x1be: {  	v21 =	vld.idx.msk [tilespmem:v23+s18+$0x0], vm0;
	_ =	sdelay $0x2  }
0x1bf: {  	v22 =	vor.u32 $0x6, v20;
	_ =	sdelay $0x2  }
0x1c0: {  	v21 =	vsel vm1, v21, v17  }
0x1c1: {  	[tilespmem:v23+s14+$0x0] =	vst.idx.msk vm0, v21  }
0x1c2: {  	v23 =	vld.idx.msk [tilespmem:v22+s18+$0x0], vm0;
	_ =	sdelay $0x2  }
0x1c3: {  	v21 =	vor.u32 $0x7, v20;
	_ =	sdelay $0x2  }
0x1c4: {  	v20 =	vsel vm1, v23, v18  }
0x1c5: {  	[tilespmem:v22+s14+$0x0] =	vst.idx.msk vm0, v20  }
0x1c6: {  	v22 =	vld.idx.msk [tilespmem:v21+s18+$0x0], vm0;
	_ =	sdelay $0x1  }
.Ltmp18:
0x1c7: {  	v20 =	vor.u32 s21, v0;
	(pc) =	sbr.rel @p1 .LBB2_20-.Ltmp18, $3  }
0x1c8: {  	vm2 =	vlt.u32 v20, $0x3E8  }
0x1c9: {  	v20 =	vshll.u32 v20, $0x3;
	_ =	sdelay $0x1  }
0x1ca: {  	v22 =	vsel vm1, v22, v19  }
.Ltmp19:
0x1cb: {  	_ = 	snop;
	(pc) =	sbr.rel .LBB2_21-.Ltmp19, $1  }
0x1cc: {  	_ =	sdelay $0x3  }
.LBB2_24:
0x1cd: {  	_ =	sfence.sel $0x180000  }
0x1ce: {  	[bflag:$0x0] =	sbarrier.arrive $0xFFFF  }
0x1cf: {  	_ =	strace $0x90000047  }
0x1d0: {  	s0 =	stileid.u32;
	[bflag:$0x2] =	sbarrier.arrive $0xFFFF  }
0x1d1: {  	p0 =	sne.s32 s0, $0x0;
	s0 =	rddreg [dreg:$0x3]  }
0x1d2: {  	s0 =	sadd.s32 @!p0 $0x100000, s0  }
0x1d3: {  	[sflag:s0] =	ssyncadd.tile.s32 @!p0 $0x1;
	_ =	shalt  }
.Lfunc_end2:
_tile_overlayer_lowered:
.L_overlay_start_2:
0x1d4: {  	(tag) =	ssettag $0x2  }
0x1d5: {  	s0 =	rddreg [dreg:$0x0];
	s2 =	stileid.u32  }
0x1d6: {  	s1 =	rddreg [dreg:$0x1];
	p0 =	sne.s32 s2, $0x0  }
0x1d7: {  	s3 =	rddreg [dreg:$0x2];
	[bflag:$0x3] =	sbarrier.arrive $0xFFFF;
	s2 =	simm.s32 @!p0 $0x1C02  }
0x1d8: {  	[timem:s3], [sflag:s2] =	dma.local @!p0 [hbm:s0], s1  }
0x1d9: {  	s0 =	simm.s32 @!p0 $0x2  }
0x1da: {  	_ =	swait.ge @!p0 [sflag:s0], s1  }
0x1db: {  	s1 =	ssub.s32 @!p0 $0x0, s1;
	[sflag:s0] =	ssyncset.done @!p0 $0x0  }
0x1dc: {  	[sflag:s0] =	ssyncadd.s32 @!p0 s1  }
0x1dd: {  	[bflag:$0x3] =	sbarrier.arrive $0xFFFF  }
0x1de: {  	_ =	shalt  }

</sc_bundles>
